<compile_context>
chip_gen: v7x
topology: tpu7x:2x2x1
jax: 0.10.2.dev20260603
libtpu: 0.0.44.dev20260713+nightly
codegen_flags: <defaults>
</compile_context>

<pallas_src>
import functools

import jax
import jax.numpy as jnp
from jax import lax
from jax.experimental import pallas as pl
from jax.experimental.pallas import tpu as pltpu
from jax.experimental.pallas import tpu_sc as plsc

B, L, V, D = 4096, 200, 1002, 128
NC, NS = 2, 16
NW = NC * NS
TOTAL = B * L
PER_W = TOTAL // NW
CHUNK = 128
K = PER_W // CHUNK
NBUF = 4
LOOK = 2


def _make_kernel():
    mesh = plsc.VectorSubcoreMesh(core_axis_name="c", subcore_axis_name="s")

    @functools.partial(
        pl.kernel,
        mesh=mesh,
        out_type=jax.ShapeDtypeStruct((NW, PER_W, D), jnp.float32),
        scratch_types=[
            pltpu.VMEM((K, CHUNK), jnp.int32),
            pltpu.VMEM((NBUF, CHUNK, D), jnp.float32),
            pltpu.VMEM_SHARED((V, D), jnp.float32),
            pltpu.SemaphoreType.DMA((NBUF,)),
            pltpu.SemaphoreType.DMA((NBUF,)),
        ],
    )
    def emb_lookup(table_hbm, idx_hbm, out_hbm, idx_v, rows_v, table_sp,
                   gsem, osem):
        sid = lax.axis_index("s")
        wid = sid * NC + lax.axis_index("c")
        my_out = out_hbm.at[wid]

        @pl.when(sid < NS - 1)
        def _():
            stg = pl.multiple_of(sid * 64, 8)
            pltpu.sync_copy(table_hbm.at[pl.ds(stg, 64)],
                            table_sp.at[pl.ds(stg, 64)])

        @pl.when(sid == NS - 1)
        def _():
            pltpu.sync_copy(table_hbm.at[pl.ds(944, V - 944)],
                            table_sp.at[pl.ds(944, V - 944)])

        pltpu.sync_copy(idx_hbm.at[wid], idx_v)
        plsc.subcore_barrier()

        def start_gather(j, b):
            pltpu.async_copy(table_sp.at[idx_v.at[j]], rows_v.at[b],
                             gsem.at[b])

        def wait_gather(b):
            pltpu.make_async_copy(table_sp.at[idx_v.at[0]], rows_v.at[b],
                                  gsem.at[b]).wait()

        def start_out(j, b):
            pltpu.async_copy(rows_v.at[b], my_out.at[pl.ds(j * CHUNK, CHUNK)],
                             osem.at[b])

        def wait_out(b):
            pltpu.make_async_copy(rows_v.at[b], my_out.at[pl.ds(0, CHUNK)],
                                  osem.at[b]).wait()

        for j in range(LOOK):
            start_gather(j, j)

        def outer(i, carry):
            j0 = i * NBUF
            for b in range(NBUF):
                j = j0 + b
                jn = j + LOOK
                bn = (b + LOOK) % NBUF

                @pl.when(jn < K)
                def _():
                    @pl.when(jn >= NBUF)
                    def _():
                        wait_out(bn)
                    start_gather(jn, bn)

                wait_gather(b)
                start_out(j, b)
            return carry

        lax.fori_loop(0, K // NBUF, outer, 0)
        for b in range(NBUF):
            wait_out(b)

    return emb_lookup


_emb_lookup = _make_kernel()


@jax.jit
def kernel(seqs, att_mask, word_embedding):
    del att_mask
    idx = seqs.reshape(NW, K, CHUNK)
    out = _emb_lookup(word_embedding, idx)
    return out.reshape(B, L, D)

# --- scband reference (transcript-rebuilt; emitter-appended) ---
"""Pipeline reference for scband-base-encoder-35905926595330 (READ-ONLY COPY).

The authoritative reference and input builder live on the scoring server;
editing this copy changes nothing except your own understanding.
"""

import jax, jax.numpy as jnp
import numpy as np

B, L, V, D = 4096, 200, 1002, 128  # vocab 1000 + [UNK] + [PAD]

def setup_inputs(seed: int = 0) -> dict:
    key = jax.random.key(seed)
    k1, k2 = jax.random.split(key)
    seqs = jax.random.randint(k1, (B, L), 0, 1000, dtype=jnp.int32)
    att_mask = jnp.ones((B, L), dtype=jnp.int32)
    word_embedding = jax.random.normal(k2, (V, D), dtype=jnp.float32)
    return {"seqs": seqs, "att_mask": att_mask, "word_embedding": word_embedding}

def reference(seqs, att_mask, word_embedding):
    # BaseEncoder.forward: inputs_embed = self.word_embedding(seqs); return inputs_embed
    # att_mask is accepted but unused in the original forward.
    inputs_embed = jnp.take(word_embedding, seqs, axis=0)
    return inputs_embed

if __name__ == "__main__":
    import jax
    _d = setup_inputs()
    print(jax.jit(kernel)(*tuple(_d.values())))

</pallas_src>

<mosaic_0001>
#map = affine_map<(d0, d1) -> (0, 0)>
#map1 = affine_map<(d0, d1) -> (0, 0, 0)>
module attributes {stable_mosaic.version = 14 : i64} {
  func.func @emb_lookup(%arg0: i32, %arg1: i32, %arg2: memref<1002x128xf32, #tpu.memory_space<hbm>>, %arg3: memref<32x200x128xi32, #tpu.memory_space<hbm>>, %arg4: memref<32x25600x128xf32, #tpu.memory_space<hbm>>, %arg5: memref<200x128xi32, #tpu.memory_space<vmem>>, %arg6: memref<4x128x128xf32, #tpu.memory_space<vmem>>, %arg7: memref<1002x128xf32, #tpu.memory_space<vmem_shared>>, %arg8: memref<4x!tpu.dma_semaphore, #tpu.memory_space<semaphore_mem>>, %arg9: memref<4x!tpu.dma_semaphore, #tpu.memory_space<semaphore_mem>>) attributes {dimension_semantics = [#tpu.dimension_semantics<core_parallel>, #tpu.dimension_semantics<subcore_parallel>], iteration_bounds = array<i64: 2, 16>, scalar_prefetch = 0 : i64, scratch_operands = 5 : i64, tpu.core_type = #tpu.core_type<sc_vector_subcore>, window_params = [{transform_indices = #map}, {transform_indices = #map1}, {transform_indices = #map1}]} {
    %mul3A = arith.constant 2 : i32
    %mul3A_0 = arith.muli %arg1, %mul3A : i32
    %add3A = arith.addi %mul3A_0, %arg0 : i32
    %lt3A = arith.constant 15 : i32
    %lt3A_1 = arith.cmpi slt, %arg1, %lt3A : i32
    %convert_element_type3A = arith.extui %lt3A_1 : i1 to i32
    %cond3A = arith.constant 0 : i32
    %cond3A_2 = arith.cmpi ne, %convert_element_type3A, %cond3A : i32
    scf.if %cond3A_2 {
      %mul3A_144 = arith.constant 64 : i32
      %mul3A_145 = arith.muli %arg1, %mul3A_144 : i32
      %multiple_of3A = tpu.assume_multiple %mul3A_145, 8 : i32
      "tpu.region"() ({
        %run_scoped3A = tpu.sem_alloc : memref<!tpu.dma_semaphore, #tpu.memory_space<semaphore_mem>>
        %dma_start3A_146 = arith.constant 0 : i32
        %dma_start3A_147 = tpu.memref_slice %arg7[%multiple_of3A, %dma_start3A_146] : memref<1002x128xf32, #tpu.memory_space<vmem_shared>> -> memref<64x128xf32, #tpu.memory_space<vmem_shared>>
        %dma_start3A_148 = arith.constant 0 : i32
        %dma_start3A_149 = tpu.memref_slice %arg2[%multiple_of3A, %dma_start3A_148] : memref<1002x128xf32, #tpu.memory_space<hbm>> -> memref<64x128xf32, #tpu.memory_space<hbm>>
        tpu.enqueue_dma source(%dma_start3A_149 : memref<64x128xf32, #tpu.memory_space<hbm>>) target(%dma_start3A_147 : memref<64x128xf32, #tpu.memory_space<vmem_shared>>) target_semaphore(%run_scoped3A : memref<!tpu.dma_semaphore, #tpu.memory_space<semaphore_mem>>)
        %dma_wait3A_150 = arith.constant 0 : i32
        %dma_wait3A_151 = tpu.memref_slice %arg7[%multiple_of3A, %dma_wait3A_150] : memref<1002x128xf32, #tpu.memory_space<vmem_shared>> -> memref<64x128xf32, #tpu.memory_space<vmem_shared>>
        %dma_wait3A_152 = arith.constant 0 : i32
        %dma_wait3A_153 = tpu.memref_slice %arg2[%multiple_of3A, %dma_wait3A_152] : memref<1002x128xf32, #tpu.memory_space<hbm>> -> memref<64x128xf32, #tpu.memory_space<hbm>>
        tpu.wait_dma2 semaphore(%run_scoped3A : memref<!tpu.dma_semaphore, #tpu.memory_space<semaphore_mem>>) src(%dma_wait3A_153 : memref<64x128xf32, #tpu.memory_space<hbm>>) dst(%dma_wait3A_151 : memref<64x128xf32, #tpu.memory_space<vmem_shared>>)
        tpu.yield
      }) : () -> ()
    } else {
    }
    %eq3A = arith.constant 15 : i32
    %eq3A_3 = arith.cmpi eq, %arg1, %eq3A : i32
    %convert_element_type3A_4 = arith.extui %eq3A_3 : i1 to i32
    %cond3A_5 = arith.constant 0 : i32
    %cond3A_6 = arith.cmpi ne, %convert_element_type3A_4, %cond3A_5 : i32
    scf.if %cond3A_6 {
      "tpu.region"() ({
        %run_scoped3A = tpu.sem_alloc : memref<!tpu.dma_semaphore, #tpu.memory_space<semaphore_mem>>
        %dma_start3A_144 = arith.constant 944 : i32
        %dma_start3A_145 = arith.constant 0 : i32
        %dma_start3A_146 = tpu.memref_slice %arg7[%dma_start3A_144, %dma_start3A_145] : memref<1002x128xf32, #tpu.memory_space<vmem_shared>> -> memref<58x128xf32, #tpu.memory_space<vmem_shared>>
        %dma_start3A_147 = arith.constant 944 : i32
        %dma_start3A_148 = arith.constant 0 : i32
        %dma_start3A_149 = tpu.memref_slice %arg2[%dma_start3A_147, %dma_start3A_148] : memref<1002x128xf32, #tpu.memory_space<hbm>> -> memref<58x128xf32, #tpu.memory_space<hbm>>
        tpu.enqueue_dma source(%dma_start3A_149 : memref<58x128xf32, #tpu.memory_space<hbm>>) target(%dma_start3A_146 : memref<58x128xf32, #tpu.memory_space<vmem_shared>>) target_semaphore(%run_scoped3A : memref<!tpu.dma_semaphore, #tpu.memory_space<semaphore_mem>>)
        %dma_wait3A_150 = arith.constant 944 : i32
        %dma_wait3A_151 = arith.constant 0 : i32
        %dma_wait3A_152 = tpu.memref_slice %arg7[%dma_wait3A_150, %dma_wait3A_151] : memref<1002x128xf32, #tpu.memory_space<vmem_shared>> -> memref<58x128xf32, #tpu.memory_space<vmem_shared>>
        %dma_wait3A_153 = arith.constant 944 : i32
        %dma_wait3A_154 = arith.constant 0 : i32
        %dma_wait3A_155 = tpu.memref_slice %arg2[%dma_wait3A_153, %dma_wait3A_154] : memref<1002x128xf32, #tpu.memory_space<hbm>> -> memref<58x128xf32, #tpu.memory_space<hbm>>
        tpu.wait_dma2 semaphore(%run_scoped3A : memref<!tpu.dma_semaphore, #tpu.memory_space<semaphore_mem>>) src(%dma_wait3A_155 : memref<58x128xf32, #tpu.memory_space<hbm>>) dst(%dma_wait3A_152 : memref<58x128xf32, #tpu.memory_space<vmem_shared>>)
        tpu.yield
      }) : () -> ()
    } else {
    }
    "tpu.region"() ({
      %run_scoped3A = tpu.sem_alloc : memref<!tpu.dma_semaphore, #tpu.memory_space<semaphore_mem>>
      %dma_start3A_144 = arith.constant 0 : i32
      %dma_start3A_145 = arith.constant 0 : i32
      %dma_start3A_146 = tpu.memref_slice %arg3[%add3A, %dma_start3A_144, %dma_start3A_145] : memref<32x200x128xi32, #tpu.memory_space<hbm>> -> memref<1x200x128xi32, #tpu.memory_space<hbm>>
      %dma_start3A_147 = tpu.memref_squeeze %dma_start3A_146 : memref<1x200x128xi32, #tpu.memory_space<hbm>> -> memref<200x128xi32, #tpu.memory_space<hbm>>
      %dma_start3A_148 = arith.constant 0 : i32
      %dma_start3A_149 = arith.constant 0 : i32
      %dma_start3A_150 = tpu.memref_slice %arg3[%add3A, %dma_start3A_148, %dma_start3A_149] : memref<32x200x128xi32, #tpu.memory_space<hbm>> -> memref<1x200x128xi32, #tpu.memory_space<hbm>>
      %dma_start3A_151 = tpu.memref_squeeze %dma_start3A_150 : memref<1x200x128xi32, #tpu.memory_space<hbm>> -> memref<200x128xi32, #tpu.memory_space<hbm>>
      tpu.enqueue_dma source(%dma_start3A_151 : memref<200x128xi32, #tpu.memory_space<hbm>>) target(%arg5 : memref<200x128xi32, #tpu.memory_space<vmem>>) target_semaphore(%run_scoped3A : memref<!tpu.dma_semaphore, #tpu.memory_space<semaphore_mem>>)
      %dma_wait3A_152 = arith.constant 0 : i32
      %dma_wait3A_153 = arith.constant 0 : i32
      %dma_wait3A_154 = tpu.memref_slice %arg3[%add3A, %dma_wait3A_152, %dma_wait3A_153] : memref<32x200x128xi32, #tpu.memory_space<hbm>> -> memref<1x200x128xi32, #tpu.memory_space<hbm>>
      %dma_wait3A_155 = tpu.memref_squeeze %dma_wait3A_154 : memref<1x200x128xi32, #tpu.memory_space<hbm>> -> memref<200x128xi32, #tpu.memory_space<hbm>>
      %dma_wait3A_156 = arith.constant 0 : i32
      %dma_wait3A_157 = arith.constant 0 : i32
      %dma_wait3A_158 = tpu.memref_slice %arg3[%add3A, %dma_wait3A_156, %dma_wait3A_157] : memref<32x200x128xi32, #tpu.memory_space<hbm>> -> memref<1x200x128xi32, #tpu.memory_space<hbm>>
      %dma_wait3A_159 = tpu.memref_squeeze %dma_wait3A_158 : memref<1x200x128xi32, #tpu.memory_space<hbm>> -> memref<200x128xi32, #tpu.memory_space<hbm>>
      tpu.wait_dma2 semaphore(%run_scoped3A : memref<!tpu.dma_semaphore, #tpu.memory_space<semaphore_mem>>) src(%dma_wait3A_159 : memref<200x128xi32, #tpu.memory_space<hbm>>) dst(%arg5 : memref<200x128xi32, #tpu.memory_space<vmem>>)
      tpu.yield
    }) : () -> ()
    %barrier3A = arith.constant 0 : index
    tpu.barrier barrier_id(%barrier3A)
    %dma_start3A = arith.constant 0 : i32
    %dma_start3A_7 = arith.constant 0 : i32
    %dma_start3A_8 = arith.constant 0 : i32
    %dma_start3A_9 = arith.constant 0 : i32
    %dma_start3A_10 = arith.constant 0 : i32
    %dma_start3A_11 = tpu.memref_slice %arg6[%dma_start3A_7, %dma_start3A_9, %dma_start3A_10] : memref<4x128x128xf32, #tpu.memory_space<vmem>> -> memref<1x128x128xf32, #tpu.memory_space<vmem>>
    %dma_start3A_12 = tpu.memref_squeeze %dma_start3A_11 : memref<1x128x128xf32, #tpu.memory_space<vmem>> -> memref<128x128xf32, #tpu.memory_space<vmem>>
    %dma_start3A_13 = arith.constant 0 : i32
    %dma_start3A_14 = tpu.memref_slice %arg5[%dma_start3A, %dma_start3A_13] : memref<200x128xi32, #tpu.memory_space<vmem>> -> memref<1x128xi32, #tpu.memory_space<vmem>>
    %dma_start3A_15 = tpu.memref_squeeze %dma_start3A_14 : memref<1x128xi32, #tpu.memory_space<vmem>> -> memref<128xi32, #tpu.memory_space<vmem>>
    %dma_start3A_16 = arith.constant 0 : i32
    %dma_start3A_17 = arith.constant 0 : i32
    %dma_start3A_18 = tpu.memref_slice %arg7[%dma_start3A_16, %dma_start3A_17] : memref<1002x128xf32, #tpu.memory_space<vmem_shared>> -> memref<1002x128xf32, #tpu.memory_space<vmem_shared>>
    %dma_start3A_19 = tpu.memref_slice %arg8[%dma_start3A_8] : memref<4x!tpu.dma_semaphore, #tpu.memory_space<semaphore_mem>> -> memref<1x!tpu.dma_semaphore, #tpu.memory_space<semaphore_mem>>
    %dma_start3A_20 = tpu.memref_squeeze %dma_start3A_19 : memref<1x!tpu.dma_semaphore, #tpu.memory_space<semaphore_mem>> -> memref<!tpu.dma_semaphore, #tpu.memory_space<semaphore_mem>>
    tpu.enqueue_indirect_dma source(%dma_start3A_18 : memref<1002x128xf32, #tpu.memory_space<vmem_shared>>) target(%dma_start3A_12 : memref<128x128xf32, #tpu.memory_space<vmem>>) offsets(%dma_start3A_15 : memref<128xi32, #tpu.memory_space<vmem>>) semaphore(%dma_start3A_20 : memref<!tpu.dma_semaphore, #tpu.memory_space<semaphore_mem>>)
    %dma_start3A_21 = arith.constant 1 : i32
    %dma_start3A_22 = arith.constant 1 : i32
    %dma_start3A_23 = arith.constant 1 : i32
    %dma_start3A_24 = arith.constant 0 : i32
    %dma_start3A_25 = arith.constant 0 : i32
    %dma_start3A_26 = tpu.memref_slice %arg6[%dma_start3A_22, %dma_start3A_24, %dma_start3A_25] : memref<4x128x128xf32, #tpu.memory_space<vmem>> -> memref<1x128x128xf32, #tpu.memory_space<vmem>>
    %dma_start3A_27 = tpu.memref_squeeze %dma_start3A_26 : memref<1x128x128xf32, #tpu.memory_space<vmem>> -> memref<128x128xf32, #tpu.memory_space<vmem>>
    %dma_start3A_28 = arith.constant 0 : i32
    %dma_start3A_29 = tpu.memref_slice %arg5[%dma_start3A_21, %dma_start3A_28] : memref<200x128xi32, #tpu.memory_space<vmem>> -> memref<1x128xi32, #tpu.memory_space<vmem>>
    %dma_start3A_30 = tpu.memref_squeeze %dma_start3A_29 : memref<1x128xi32, #tpu.memory_space<vmem>> -> memref<128xi32, #tpu.memory_space<vmem>>
    %dma_start3A_31 = arith.constant 0 : i32
    %dma_start3A_32 = arith.constant 0 : i32
    %dma_start3A_33 = tpu.memref_slice %arg7[%dma_start3A_31, %dma_start3A_32] : memref<1002x128xf32, #tpu.memory_space<vmem_shared>> -> memref<1002x128xf32, #tpu.memory_space<vmem_shared>>
    %dma_start3A_34 = tpu.memref_slice %arg8[%dma_start3A_23] : memref<4x!tpu.dma_semaphore, #tpu.memory_space<semaphore_mem>> -> memref<1x!tpu.dma_semaphore, #tpu.memory_space<semaphore_mem>>
    %dma_start3A_35 = tpu.memref_squeeze %dma_start3A_34 : memref<1x!tpu.dma_semaphore, #tpu.memory_space<semaphore_mem>> -> memref<!tpu.dma_semaphore, #tpu.memory_space<semaphore_mem>>
    tpu.enqueue_indirect_dma source(%dma_start3A_33 : memref<1002x128xf32, #tpu.memory_space<vmem_shared>>) target(%dma_start3A_27 : memref<128x128xf32, #tpu.memory_space<vmem>>) offsets(%dma_start3A_30 : memref<128xi32, #tpu.memory_space<vmem>>) semaphore(%dma_start3A_35 : memref<!tpu.dma_semaphore, #tpu.memory_space<semaphore_mem>>)
    %scan3A = arith.constant 0 : i32
    %scan3A_36 = arith.constant 0 : i32
    %scan3A_37 = arith.constant 50 : i32
    %scan3A_38 = arith.addi %scan3A_36, %scan3A_37 : i32
    %scan3A_39 = arith.constant 1 : i32
    scf.for %scan3A_144 = %scan3A_36 to %scan3A_38 step %scan3A_39  : i32 {
      %mul3A_145 = arith.constant 4 : i32
      %mul3A_146 = arith.muli %scan3A_144, %mul3A_145 : i32
      %add3A_147 = arith.constant 0 : i32
      %add3A_148 = arith.addi %mul3A_146, %add3A_147 : i32
      %add3A_149 = arith.constant 2 : i32
      %add3A_150 = arith.addi %add3A_148, %add3A_149 : i32
      %lt3A_151 = arith.constant 200 : i32
      %lt3A_152 = arith.cmpi slt, %add3A_150, %lt3A_151 : i32
      %convert_element_type3A_153 = arith.extui %lt3A_152 : i1 to i32
      %cond3A_154 = arith.constant 0 : i32
      %cond3A_155 = arith.cmpi ne, %convert_element_type3A_153, %cond3A_154 : i32
      scf.if %cond3A_155 {
        %ge3A = arith.constant 4 : i32
        %ge3A_347 = arith.cmpi sge, %add3A_150, %ge3A : i32
        %convert_element_type3A_348 = arith.extui %ge3A_347 : i1 to i32
        %cond3A_349 = arith.constant 0 : i32
        %cond3A_350 = arith.cmpi ne, %convert_element_type3A_348, %cond3A_349 : i32
        scf.if %cond3A_350 {
          %dma_wait3A_365 = arith.constant 2 : i32
          %dma_wait3A_366 = arith.constant 2 : i32
          %dma_wait3A_367 = arith.constant 0 : i32
          %dma_wait3A_368 = arith.constant 0 : i32
          %dma_wait3A_369 = tpu.memref_slice %arg6[%dma_wait3A_365, %dma_wait3A_367, %dma_wait3A_368] : memref<4x128x128xf32, #tpu.memory_space<vmem>> -> memref<1x128x128xf32, #tpu.memory_space<vmem>>
          %dma_wait3A_370 = tpu.memref_squeeze %dma_wait3A_369 : memref<1x128x128xf32, #tpu.memory_space<vmem>> -> memref<128x128xf32, #tpu.memory_space<vmem>>
          %dma_wait3A_371 = arith.constant 0 : i32
          %dma_wait3A_372 = arith.constant 0 : i32
          %dma_wait3A_373 = tpu.memref_slice %arg4[%add3A, %dma_wait3A_371, %dma_wait3A_372] : memref<32x25600x128xf32, #tpu.memory_space<hbm>> -> memref<1x25600x128xf32, #tpu.memory_space<hbm>>
          %dma_wait3A_374 = tpu.memref_squeeze %dma_wait3A_373 : memref<1x25600x128xf32, #tpu.memory_space<hbm>> -> memref<25600x128xf32, #tpu.memory_space<hbm>>
          %dma_wait3A_375 = arith.constant 0 : i32
          %dma_wait3A_376 = arith.constant 0 : i32
          %dma_wait3A_377 = tpu.memref_slice %dma_wait3A_374[%dma_wait3A_375, %dma_wait3A_376] : memref<25600x128xf32, #tpu.memory_space<hbm>> -> memref<128x128xf32, #tpu.memory_space<hbm>>
          %dma_wait3A_378 = tpu.memref_slice %arg9[%dma_wait3A_366] : memref<4x!tpu.dma_semaphore, #tpu.memory_space<semaphore_mem>> -> memref<1x!tpu.dma_semaphore, #tpu.memory_space<semaphore_mem>>
          %dma_wait3A_379 = tpu.memref_squeeze %dma_wait3A_378 : memref<1x!tpu.dma_semaphore, #tpu.memory_space<semaphore_mem>> -> memref<!tpu.dma_semaphore, #tpu.memory_space<semaphore_mem>>
          %dma_wait3A_380 = arith.constant 0 : i32
          %dma_wait3A_381 = arith.constant 0 : i32
          %dma_wait3A_382 = tpu.memref_slice %arg4[%add3A, %dma_wait3A_380, %dma_wait3A_381] : memref<32x25600x128xf32, #tpu.memory_space<hbm>> -> memref<1x25600x128xf32, #tpu.memory_space<hbm>>
          %dma_wait3A_383 = tpu.memref_squeeze %dma_wait3A_382 : memref<1x25600x128xf32, #tpu.memory_space<hbm>> -> memref<25600x128xf32, #tpu.memory_space<hbm>>
          %dma_wait3A_384 = arith.constant 0 : i32
          %dma_wait3A_385 = arith.constant 0 : i32
          %dma_wait3A_386 = tpu.memref_slice %dma_wait3A_383[%dma_wait3A_384, %dma_wait3A_385] : memref<25600x128xf32, #tpu.memory_space<hbm>> -> memref<128x128xf32, #tpu.memory_space<hbm>>
          %dma_wait3A_387 = arith.constant 0 : i32
          %dma_wait3A_388 = arith.constant 0 : i32
          %dma_wait3A_389 = tpu.memref_slice %arg6[%dma_wait3A_365, %dma_wait3A_387, %dma_wait3A_388] : memref<4x128x128xf32, #tpu.memory_space<vmem>> -> memref<1x128x128xf32, #tpu.memory_space<vmem>>
          %dma_wait3A_390 = tpu.memref_squeeze %dma_wait3A_389 : memref<1x128x128xf32, #tpu.memory_space<vmem>> -> memref<128x128xf32, #tpu.memory_space<vmem>>
          tpu.wait_dma2 semaphore(%dma_wait3A_379 : memref<!tpu.dma_semaphore, #tpu.memory_space<semaphore_mem>>) src(%dma_wait3A_390 : memref<128x128xf32, #tpu.memory_space<vmem>>) dst(%dma_wait3A_386 : memref<128x128xf32, #tpu.memory_space<hbm>>)
        } else {
        }
        %dma_start3A_351 = arith.constant 2 : i32
        %dma_start3A_352 = arith.constant 2 : i32
        %dma_start3A_353 = arith.constant 0 : i32
        %dma_start3A_354 = arith.constant 0 : i32
        %dma_start3A_355 = tpu.memref_slice %arg6[%dma_start3A_351, %dma_start3A_353, %dma_start3A_354] : memref<4x128x128xf32, #tpu.memory_space<vmem>> -> memref<1x128x128xf32, #tpu.memory_space<vmem>>
        %dma_start3A_356 = tpu.memref_squeeze %dma_start3A_355 : memref<1x128x128xf32, #tpu.memory_space<vmem>> -> memref<128x128xf32, #tpu.memory_space<vmem>>
        %dma_start3A_357 = arith.constant 0 : i32
        %dma_start3A_358 = tpu.memref_slice %arg5[%add3A_150, %dma_start3A_357] : memref<200x128xi32, #tpu.memory_space<vmem>> -> memref<1x128xi32, #tpu.memory_space<vmem>>
        %dma_start3A_359 = tpu.memref_squeeze %dma_start3A_358 : memref<1x128xi32, #tpu.memory_space<vmem>> -> memref<128xi32, #tpu.memory_space<vmem>>
        %dma_start3A_360 = arith.constant 0 : i32
        %dma_start3A_361 = arith.constant 0 : i32
        %dma_start3A_362 = tpu.memref_slice %arg7[%dma_start3A_360, %dma_start3A_361] : memref<1002x128xf32, #tpu.memory_space<vmem_shared>> -> memref<1002x128xf32, #tpu.memory_space<vmem_shared>>
        %dma_start3A_363 = tpu.memref_slice %arg8[%dma_start3A_352] : memref<4x!tpu.dma_semaphore, #tpu.memory_space<semaphore_mem>> -> memref<1x!tpu.dma_semaphore, #tpu.memory_space<semaphore_mem>>
        %dma_start3A_364 = tpu.memref_squeeze %dma_start3A_363 : memref<1x!tpu.dma_semaphore, #tpu.memory_space<semaphore_mem>> -> memref<!tpu.dma_semaphore, #tpu.memory_space<semaphore_mem>>
        tpu.enqueue_indirect_dma source(%dma_start3A_362 : memref<1002x128xf32, #tpu.memory_space<vmem_shared>>) target(%dma_start3A_356 : memref<128x128xf32, #tpu.memory_space<vmem>>) offsets(%dma_start3A_359 : memref<128xi32, #tpu.memory_space<vmem>>) semaphore(%dma_start3A_364 : memref<!tpu.dma_semaphore, #tpu.memory_space<semaphore_mem>>)
      } else {
      }
      %dma_wait3A_156 = arith.constant 0 : i32
      %dma_wait3A_157 = arith.constant 0 : i32
      %dma_wait3A_158 = arith.constant 0 : i32
      %dma_wait3A_159 = arith.constant 0 : i32
      %dma_wait3A_160 = arith.constant 0 : i32
      %dma_wait3A_161 = tpu.memref_slice %arg6[%dma_wait3A_157, %dma_wait3A_159, %dma_wait3A_160] : memref<4x128x128xf32, #tpu.memory_space<vmem>> -> memref<1x128x128xf32, #tpu.memory_space<vmem>>
      %dma_wait3A_162 = tpu.memref_squeeze %dma_wait3A_161 : memref<1x128x128xf32, #tpu.memory_space<vmem>> -> memref<128x128xf32, #tpu.memory_space<vmem>>
      %dma_wait3A_163 = arith.constant 0 : i32
      %dma_wait3A_164 = tpu.memref_slice %arg5[%dma_wait3A_156, %dma_wait3A_163] : memref<200x128xi32, #tpu.memory_space<vmem>> -> memref<1x128xi32, #tpu.memory_space<vmem>>
      %dma_wait3A_165 = tpu.memref_squeeze %dma_wait3A_164 : memref<1x128xi32, #tpu.memory_space<vmem>> -> memref<128xi32, #tpu.memory_space<vmem>>
      %dma_wait3A_166 = arith.constant 0 : i32
      %dma_wait3A_167 = arith.constant 0 : i32
      %dma_wait3A_168 = tpu.memref_slice %arg7[%dma_wait3A_166, %dma_wait3A_167] : memref<1002x128xf32, #tpu.memory_space<vmem_shared>> -> memref<1002x128xf32, #tpu.memory_space<vmem_shared>>
      %dma_wait3A_169 = tpu.memref_slice %arg8[%dma_wait3A_158] : memref<4x!tpu.dma_semaphore, #tpu.memory_space<semaphore_mem>> -> memref<1x!tpu.dma_semaphore, #tpu.memory_space<semaphore_mem>>
      %dma_wait3A_170 = tpu.memref_squeeze %dma_wait3A_169 : memref<1x!tpu.dma_semaphore, #tpu.memory_space<semaphore_mem>> -> memref<!tpu.dma_semaphore, #tpu.memory_space<semaphore_mem>>
      tpu.wait_indirect_dma semaphore(%dma_wait3A_170 : memref<!tpu.dma_semaphore, #tpu.memory_space<semaphore_mem>>) src(%dma_wait3A_168 : memref<1002x128xf32, #tpu.memory_space<vmem_shared>>) dst(%dma_wait3A_162 : memref<128x128xf32, #tpu.memory_space<vmem>>)
      %mul3A_171 = arith.constant 128 : i32
      %mul3A_172 = arith.muli %add3A_148, %mul3A_171 : i32
      %dma_start3A_173 = arith.constant 0 : i32
      %dma_start3A_174 = arith.constant 0 : i32
      %dma_start3A_175 = arith.constant 0 : i32
      %dma_start3A_176 = arith.constant 0 : i32
      %dma_start3A_177 = tpu.memref_slice %arg6[%dma_start3A_173, %dma_start3A_175, %dma_start3A_176] : memref<4x128x128xf32, #tpu.memory_space<vmem>> -> memref<1x128x128xf32, #tpu.memory_space<vmem>>
      %dma_start3A_178 = tpu.memref_squeeze %dma_start3A_177 : memref<1x128x128xf32, #tpu.memory_space<vmem>> -> memref<128x128xf32, #tpu.memory_space<vmem>>
      %dma_start3A_179 = arith.constant 0 : i32
      %dma_start3A_180 = arith.constant 0 : i32
      %dma_start3A_181 = tpu.memref_slice %arg4[%add3A, %dma_start3A_179, %dma_start3A_180] : memref<32x25600x128xf32, #tpu.memory_space<hbm>> -> memref<1x25600x128xf32, #tpu.memory_space<hbm>>
      %dma_start3A_182 = tpu.memref_squeeze %dma_start3A_181 : memref<1x25600x128xf32, #tpu.memory_space<hbm>> -> memref<25600x128xf32, #tpu.memory_space<hbm>>
      %dma_start3A_183 = arith.constant 0 : i32
      %dma_start3A_184 = tpu.memref_slice %dma_start3A_182[%mul3A_172, %dma_start3A_183] : memref<25600x128xf32, #tpu.memory_space<hbm>> -> memref<128x128xf32, #tpu.memory_space<hbm>>
      %dma_start3A_185 = tpu.memref_slice %arg9[%dma_start3A_174] : memref<4x!tpu.dma_semaphore, #tpu.memory_space<semaphore_mem>> -> memref<1x!tpu.dma_semaphore, #tpu.memory_space<semaphore_mem>>
      %dma_start3A_186 = tpu.memref_squeeze %dma_start3A_185 : memref<1x!tpu.dma_semaphore, #tpu.memory_space<semaphore_mem>> -> memref<!tpu.dma_semaphore, #tpu.memory_space<semaphore_mem>>
      %dma_start3A_187 = arith.constant 0 : i32
      %dma_start3A_188 = arith.constant 0 : i32
      %dma_start3A_189 = tpu.memref_slice %arg4[%add3A, %dma_start3A_187, %dma_start3A_188] : memref<32x25600x128xf32, #tpu.memory_space<hbm>> -> memref<1x25600x128xf32, #tpu.memory_space<hbm>>
      %dma_start3A_190 = tpu.memref_squeeze %dma_start3A_189 : memref<1x25600x128xf32, #tpu.memory_space<hbm>> -> memref<25600x128xf32, #tpu.memory_space<hbm>>
      %dma_start3A_191 = arith.constant 0 : i32
      %dma_start3A_192 = tpu.memref_slice %dma_start3A_190[%mul3A_172, %dma_start3A_191] : memref<25600x128xf32, #tpu.memory_space<hbm>> -> memref<128x128xf32, #tpu.memory_space<hbm>>
      %dma_start3A_193 = arith.constant 0 : i32
      %dma_start3A_194 = arith.constant 0 : i32
      %dma_start3A_195 = tpu.memref_slice %arg6[%dma_start3A_173, %dma_start3A_193, %dma_start3A_194] : memref<4x128x128xf32, #tpu.memory_space<vmem>> -> memref<1x128x128xf32, #tpu.memory_space<vmem>>
      %dma_start3A_196 = tpu.memref_squeeze %dma_start3A_195 : memref<1x128x128xf32, #tpu.memory_space<vmem>> -> memref<128x128xf32, #tpu.memory_space<vmem>>
      tpu.enqueue_dma source(%dma_start3A_196 : memref<128x128xf32, #tpu.memory_space<vmem>>) target(%dma_start3A_192 : memref<128x128xf32, #tpu.memory_space<hbm>>) target_semaphore(%dma_start3A_186 : memref<!tpu.dma_semaphore, #tpu.memory_space<semaphore_mem>>)
      %add3A_197 = arith.constant 1 : i32
      %add3A_198 = arith.addi %mul3A_146, %add3A_197 : i32
      %add3A_199 = arith.constant 2 : i32
      %add3A_200 = arith.addi %add3A_198, %add3A_199 : i32
      %lt3A_201 = arith.constant 200 : i32
      %lt3A_202 = arith.cmpi slt, %add3A_200, %lt3A_201 : i32
      %convert_element_type3A_203 = arith.extui %lt3A_202 : i1 to i32
      %cond3A_204 = arith.constant 0 : i32
      %cond3A_205 = arith.cmpi ne, %convert_element_type3A_203, %cond3A_204 : i32
      scf.if %cond3A_205 {
        %ge3A = arith.constant 4 : i32
        %ge3A_347 = arith.cmpi sge, %add3A_200, %ge3A : i32
        %convert_element_type3A_348 = arith.extui %ge3A_347 : i1 to i32
        %cond3A_349 = arith.constant 0 : i32
        %cond3A_350 = arith.cmpi ne, %convert_element_type3A_348, %cond3A_349 : i32
        scf.if %cond3A_350 {
          %dma_wait3A_365 = arith.constant 3 : i32
          %dma_wait3A_366 = arith.constant 3 : i32
          %dma_wait3A_367 = arith.constant 0 : i32
          %dma_wait3A_368 = arith.constant 0 : i32
          %dma_wait3A_369 = tpu.memref_slice %arg6[%dma_wait3A_365, %dma_wait3A_367, %dma_wait3A_368] : memref<4x128x128xf32, #tpu.memory_space<vmem>> -> memref<1x128x128xf32, #tpu.memory_space<vmem>>
          %dma_wait3A_370 = tpu.memref_squeeze %dma_wait3A_369 : memref<1x128x128xf32, #tpu.memory_space<vmem>> -> memref<128x128xf32, #tpu.memory_space<vmem>>
          %dma_wait3A_371 = arith.constant 0 : i32
          %dma_wait3A_372 = arith.constant 0 : i32
          %dma_wait3A_373 = tpu.memref_slice %arg4[%add3A, %dma_wait3A_371, %dma_wait3A_372] : memref<32x25600x128xf32, #tpu.memory_space<hbm>> -> memref<1x25600x128xf32, #tpu.memory_space<hbm>>
          %dma_wait3A_374 = tpu.memref_squeeze %dma_wait3A_373 : memref<1x25600x128xf32, #tpu.memory_space<hbm>> -> memref<25600x128xf32, #tpu.memory_space<hbm>>
          %dma_wait3A_375 = arith.constant 0 : i32
          %dma_wait3A_376 = arith.constant 0 : i32
          %dma_wait3A_377 = tpu.memref_slice %dma_wait3A_374[%dma_wait3A_375, %dma_wait3A_376] : memref<25600x128xf32, #tpu.memory_space<hbm>> -> memref<128x128xf32, #tpu.memory_space<hbm>>
          %dma_wait3A_378 = tpu.memref_slice %arg9[%dma_wait3A_366] : memref<4x!tpu.dma_semaphore, #tpu.memory_space<semaphore_mem>> -> memref<1x!tpu.dma_semaphore, #tpu.memory_space<semaphore_mem>>
          %dma_wait3A_379 = tpu.memref_squeeze %dma_wait3A_378 : memref<1x!tpu.dma_semaphore, #tpu.memory_space<semaphore_mem>> -> memref<!tpu.dma_semaphore, #tpu.memory_space<semaphore_mem>>
          %dma_wait3A_380 = arith.constant 0 : i32
          %dma_wait3A_381 = arith.constant 0 : i32
          %dma_wait3A_382 = tpu.memref_slice %arg4[%add3A, %dma_wait3A_380, %dma_wait3A_381] : memref<32x25600x128xf32, #tpu.memory_space<hbm>> -> memref<1x25600x128xf32, #tpu.memory_space<hbm>>
          %dma_wait3A_383 = tpu.memref_squeeze %dma_wait3A_382 : memref<1x25600x128xf32, #tpu.memory_space<hbm>> -> memref<25600x128xf32, #tpu.memory_space<hbm>>
          %dma_wait3A_384 = arith.constant 0 : i32
          %dma_wait3A_385 = arith.constant 0 : i32
          %dma_wait3A_386 = tpu.memref_slice %dma_wait3A_383[%dma_wait3A_384, %dma_wait3A_385] : memref<25600x128xf32, #tpu.memory_space<hbm>> -> memref<128x128xf32, #tpu.memory_space<hbm>>
          %dma_wait3A_387 = arith.constant 0 : i32
          %dma_wait3A_388 = arith.constant 0 : i32
          %dma_wait3A_389 = tpu.memref_slice %arg6[%dma_wait3A_365, %dma_wait3A_387, %dma_wait3A_388] : memref<4x128x128xf32, #tpu.memory_space<vmem>> -> memref<1x128x128xf32, #tpu.memory_space<vmem>>
          %dma_wait3A_390 = tpu.memref_squeeze %dma_wait3A_389 : memref<1x128x128xf32, #tpu.memory_space<vmem>> -> memref<128x128xf32, #tpu.memory_space<vmem>>
          tpu.wait_dma2 semaphore(%dma_wait3A_379 : memref<!tpu.dma_semaphore, #tpu.memory_space<semaphore_mem>>) src(%dma_wait3A_390 : memref<128x128xf32, #tpu.memory_space<vmem>>) dst(%dma_wait3A_386 : memref<128x128xf32, #tpu.memory_space<hbm>>)
        } else {
        }
        %dma_start3A_351 = arith.constant 3 : i32
        %dma_start3A_352 = arith.constant 3 : i32
        %dma_start3A_353 = arith.constant 0 : i32
        %dma_start3A_354 = arith.constant 0 : i32
        %dma_start3A_355 = tpu.memref_slice %arg6[%dma_start3A_351, %dma_start3A_353, %dma_start3A_354] : memref<4x128x128xf32, #tpu.memory_space<vmem>> -> memref<1x128x128xf32, #tpu.memory_space<vmem>>
        %dma_start3A_356 = tpu.memref_squeeze %dma_start3A_355 : memref<1x128x128xf32, #tpu.memory_space<vmem>> -> memref<128x128xf32, #tpu.memory_space<vmem>>
        %dma_start3A_357 = arith.constant 0 : i32
        %dma_start3A_358 = tpu.memref_slice %arg5[%add3A_200, %dma_start3A_357] : memref<200x128xi32, #tpu.memory_space<vmem>> -> memref<1x128xi32, #tpu.memory_space<vmem>>
        %dma_start3A_359 = tpu.memref_squeeze %dma_start3A_358 : memref<1x128xi32, #tpu.memory_space<vmem>> -> memref<128xi32, #tpu.memory_space<vmem>>
        %dma_start3A_360 = arith.constant 0 : i32
        %dma_start3A_361 = arith.constant 0 : i32
        %dma_start3A_362 = tpu.memref_slice %arg7[%dma_start3A_360, %dma_start3A_361] : memref<1002x128xf32, #tpu.memory_space<vmem_shared>> -> memref<1002x128xf32, #tpu.memory_space<vmem_shared>>
        %dma_start3A_363 = tpu.memref_slice %arg8[%dma_start3A_352] : memref<4x!tpu.dma_semaphore, #tpu.memory_space<semaphore_mem>> -> memref<1x!tpu.dma_semaphore, #tpu.memory_space<semaphore_mem>>
        %dma_start3A_364 = tpu.memref_squeeze %dma_start3A_363 : memref<1x!tpu.dma_semaphore, #tpu.memory_space<semaphore_mem>> -> memref<!tpu.dma_semaphore, #tpu.memory_space<semaphore_mem>>
        tpu.enqueue_indirect_dma source(%dma_start3A_362 : memref<1002x128xf32, #tpu.memory_space<vmem_shared>>) target(%dma_start3A_356 : memref<128x128xf32, #tpu.memory_space<vmem>>) offsets(%dma_start3A_359 : memref<128xi32, #tpu.memory_space<vmem>>) semaphore(%dma_start3A_364 : memref<!tpu.dma_semaphore, #tpu.memory_space<semaphore_mem>>)
      } else {
      }
      %dma_wait3A_206 = arith.constant 0 : i32
      %dma_wait3A_207 = arith.constant 1 : i32
      %dma_wait3A_208 = arith.constant 1 : i32
      %dma_wait3A_209 = arith.constant 0 : i32
      %dma_wait3A_210 = arith.constant 0 : i32
      %dma_wait3A_211 = tpu.memref_slice %arg6[%dma_wait3A_207, %dma_wait3A_209, %dma_wait3A_210] : memref<4x128x128xf32, #tpu.memory_space<vmem>> -> memref<1x128x128xf32, #tpu.memory_space<vmem>>
      %dma_wait3A_212 = tpu.memref_squeeze %dma_wait3A_211 : memref<1x128x128xf32, #tpu.memory_space<vmem>> -> memref<128x128xf32, #tpu.memory_space<vmem>>
      %dma_wait3A_213 = arith.constant 0 : i32
      %dma_wait3A_214 = tpu.memref_slice %arg5[%dma_wait3A_206, %dma_wait3A_213] : memref<200x128xi32, #tpu.memory_space<vmem>> -> memref<1x128xi32, #tpu.memory_space<vmem>>
      %dma_wait3A_215 = tpu.memref_squeeze %dma_wait3A_214 : memref<1x128xi32, #tpu.memory_space<vmem>> -> memref<128xi32, #tpu.memory_space<vmem>>
      %dma_wait3A_216 = arith.constant 0 : i32
      %dma_wait3A_217 = arith.constant 0 : i32
      %dma_wait3A_218 = tpu.memref_slice %arg7[%dma_wait3A_216, %dma_wait3A_217] : memref<1002x128xf32, #tpu.memory_space<vmem_shared>> -> memref<1002x128xf32, #tpu.memory_space<vmem_shared>>
      %dma_wait3A_219 = tpu.memref_slice %arg8[%dma_wait3A_208] : memref<4x!tpu.dma_semaphore, #tpu.memory_space<semaphore_mem>> -> memref<1x!tpu.dma_semaphore, #tpu.memory_space<semaphore_mem>>
      %dma_wait3A_220 = tpu.memref_squeeze %dma_wait3A_219 : memref<1x!tpu.dma_semaphore, #tpu.memory_space<semaphore_mem>> -> memref<!tpu.dma_semaphore, #tpu.memory_space<semaphore_mem>>
      tpu.wait_indirect_dma semaphore(%dma_wait3A_220 : memref<!tpu.dma_semaphore, #tpu.memory_space<semaphore_mem>>) src(%dma_wait3A_218 : memref<1002x128xf32, #tpu.memory_space<vmem_shared>>) dst(%dma_wait3A_212 : memref<128x128xf32, #tpu.memory_space<vmem>>)
      %mul3A_221 = arith.constant 128 : i32
      %mul3A_222 = arith.muli %add3A_198, %mul3A_221 : i32
      %dma_start3A_223 = arith.constant 1 : i32
      %dma_start3A_224 = arith.constant 1 : i32
      %dma_start3A_225 = arith.constant 0 : i32
      %dma_start3A_226 = arith.constant 0 : i32
      %dma_start3A_227 = tpu.memref_slice %arg6[%dma_start3A_223, %dma_start3A_225, %dma_start3A_226] : memref<4x128x128xf32, #tpu.memory_space<vmem>> -> memref<1x128x128xf32, #tpu.memory_space<vmem>>
      %dma_start3A_228 = tpu.memref_squeeze %dma_start3A_227 : memref<1x128x128xf32, #tpu.memory_space<vmem>> -> memref<128x128xf32, #tpu.memory_space<vmem>>
      %dma_start3A_229 = arith.constant 0 : i32
      %dma_start3A_230 = arith.constant 0 : i32
      %dma_start3A_231 = tpu.memref_slice %arg4[%add3A, %dma_start3A_229, %dma_start3A_230] : memref<32x25600x128xf32, #tpu.memory_space<hbm>> -> memref<1x25600x128xf32, #tpu.memory_space<hbm>>
      %dma_start3A_232 = tpu.memref_squeeze %dma_start3A_231 : memref<1x25600x128xf32, #tpu.memory_space<hbm>> -> memref<25600x128xf32, #tpu.memory_space<hbm>>
      %dma_start3A_233 = arith.constant 0 : i32
      %dma_start3A_234 = tpu.memref_slice %dma_start3A_232[%mul3A_222, %dma_start3A_233] : memref<25600x128xf32, #tpu.memory_space<hbm>> -> memref<128x128xf32, #tpu.memory_space<hbm>>
      %dma_start3A_235 = tpu.memref_slice %arg9[%dma_start3A_224] : memref<4x!tpu.dma_semaphore, #tpu.memory_space<semaphore_mem>> -> memref<1x!tpu.dma_semaphore, #tpu.memory_space<semaphore_mem>>
      %dma_start3A_236 = tpu.memref_squeeze %dma_start3A_235 : memref<1x!tpu.dma_semaphore, #tpu.memory_space<semaphore_mem>> -> memref<!tpu.dma_semaphore, #tpu.memory_space<semaphore_mem>>
      %dma_start3A_237 = arith.constant 0 : i32
      %dma_start3A_238 = arith.constant 0 : i32
      %dma_start3A_239 = tpu.memref_slice %arg4[%add3A, %dma_start3A_237, %dma_start3A_238] : memref<32x25600x128xf32, #tpu.memory_space<hbm>> -> memref<1x25600x128xf32, #tpu.memory_space<hbm>>
      %dma_start3A_240 = tpu.memref_squeeze %dma_start3A_239 : memref<1x25600x128xf32, #tpu.memory_space<hbm>> -> memref<25600x128xf32, #tpu.memory_space<hbm>>
      %dma_start3A_241 = arith.constant 0 : i32
      %dma_start3A_242 = tpu.memref_slice %dma_start3A_240[%mul3A_222, %dma_start3A_241] : memref<25600x128xf32, #tpu.memory_space<hbm>> -> memref<128x128xf32, #tpu.memory_space<hbm>>
      %dma_start3A_243 = arith.constant 0 : i32
      %dma_start3A_244 = arith.constant 0 : i32
      %dma_start3A_245 = tpu.memref_slice %arg6[%dma_start3A_223, %dma_start3A_243, %dma_start3A_244] : memref<4x128x128xf32, #tpu.memory_space<vmem>> -> memref<1x128x128xf32, #tpu.memory_space<vmem>>
      %dma_start3A_246 = tpu.memref_squeeze %dma_start3A_245 : memref<1x128x128xf32, #tpu.memory_space<vmem>> -> memref<128x128xf32, #tpu.memory_space<vmem>>
      tpu.enqueue_dma source(%dma_start3A_246 : memref<128x128xf32, #tpu.memory_space<vmem>>) target(%dma_start3A_242 : memref<128x128xf32, #tpu.memory_space<hbm>>) target_semaphore(%dma_start3A_236 : memref<!tpu.dma_semaphore, #tpu.memory_space<semaphore_mem>>)
      %add3A_247 = arith.constant 2 : i32
      %add3A_248 = arith.addi %mul3A_146, %add3A_247 : i32
      %add3A_249 = arith.constant 2 : i32
      %add3A_250 = arith.addi %add3A_248, %add3A_249 : i32
      %lt3A_251 = arith.constant 200 : i32
      %lt3A_252 = arith.cmpi slt, %add3A_250, %lt3A_251 : i32
      %convert_element_type3A_253 = arith.extui %lt3A_252 : i1 to i32
      %cond3A_254 = arith.constant 0 : i32
      %cond3A_255 = arith.cmpi ne, %convert_element_type3A_253, %cond3A_254 : i32
      scf.if %cond3A_255 {
        %ge3A = arith.constant 4 : i32
        %ge3A_347 = arith.cmpi sge, %add3A_250, %ge3A : i32
        %convert_element_type3A_348 = arith.extui %ge3A_347 : i1 to i32
        %cond3A_349 = arith.constant 0 : i32
        %cond3A_350 = arith.cmpi ne, %convert_element_type3A_348, %cond3A_349 : i32
        scf.if %cond3A_350 {
          %dma_wait3A_365 = arith.constant 0 : i32
          %dma_wait3A_366 = arith.constant 0 : i32
          %dma_wait3A_367 = arith.constant 0 : i32
          %dma_wait3A_368 = arith.constant 0 : i32
          %dma_wait3A_369 = tpu.memref_slice %arg6[%dma_wait3A_365, %dma_wait3A_367, %dma_wait3A_368] : memref<4x128x128xf32, #tpu.memory_space<vmem>> -> memref<1x128x128xf32, #tpu.memory_space<vmem>>
          %dma_wait3A_370 = tpu.memref_squeeze %dma_wait3A_369 : memref<1x128x128xf32, #tpu.memory_space<vmem>> -> memref<128x128xf32, #tpu.memory_space<vmem>>
          %dma_wait3A_371 = arith.constant 0 : i32
          %dma_wait3A_372 = arith.constant 0 : i32
          %dma_wait3A_373 = tpu.memref_slice %arg4[%add3A, %dma_wait3A_371, %dma_wait3A_372] : memref<32x25600x128xf32, #tpu.memory_space<hbm>> -> memref<1x25600x128xf32, #tpu.memory_space<hbm>>
          %dma_wait3A_374 = tpu.memref_squeeze %dma_wait3A_373 : memref<1x25600x128xf32, #tpu.memory_space<hbm>> -> memref<25600x128xf32, #tpu.memory_space<hbm>>
          %dma_wait3A_375 = arith.constant 0 : i32
          %dma_wait3A_376 = arith.constant 0 : i32
          %dma_wait3A_377 = tpu.memref_slice %dma_wait3A_374[%dma_wait3A_375, %dma_wait3A_376] : memref<25600x128xf32, #tpu.memory_space<hbm>> -> memref<128x128xf32, #tpu.memory_space<hbm>>
          %dma_wait3A_378 = tpu.memref_slice %arg9[%dma_wait3A_366] : memref<4x!tpu.dma_semaphore, #tpu.memory_space<semaphore_mem>> -> memref<1x!tpu.dma_semaphore, #tpu.memory_space<semaphore_mem>>
          %dma_wait3A_379 = tpu.memref_squeeze %dma_wait3A_378 : memref<1x!tpu.dma_semaphore, #tpu.memory_space<semaphore_mem>> -> memref<!tpu.dma_semaphore, #tpu.memory_space<semaphore_mem>>
          %dma_wait3A_380 = arith.constant 0 : i32
          %dma_wait3A_381 = arith.constant 0 : i32
          %dma_wait3A_382 = tpu.memref_slice %arg4[%add3A, %dma_wait3A_380, %dma_wait3A_381] : memref<32x25600x128xf32, #tpu.memory_space<hbm>> -> memref<1x25600x128xf32, #tpu.memory_space<hbm>>
          %dma_wait3A_383 = tpu.memref_squeeze %dma_wait3A_382 : memref<1x25600x128xf32, #tpu.memory_space<hbm>> -> memref<25600x128xf32, #tpu.memory_space<hbm>>
          %dma_wait3A_384 = arith.constant 0 : i32
          %dma_wait3A_385 = arith.constant 0 : i32
          %dma_wait3A_386 = tpu.memref_slice %dma_wait3A_383[%dma_wait3A_384, %dma_wait3A_385] : memref<25600x128xf32, #tpu.memory_space<hbm>> -> memref<128x128xf32, #tpu.memory_space<hbm>>
          %dma_wait3A_387 = arith.constant 0 : i32
          %dma_wait3A_388 = arith.constant 0 : i32
          %dma_wait3A_389 = tpu.memref_slice %arg6[%dma_wait3A_365, %dma_wait3A_387, %dma_wait3A_388] : memref<4x128x128xf32, #tpu.memory_space<vmem>> -> memref<1x128x128xf32, #tpu.memory_space<vmem>>
          %dma_wait3A_390 = tpu.memref_squeeze %dma_wait3A_389 : memref<1x128x128xf32, #tpu.memory_space<vmem>> -> memref<128x128xf32, #tpu.memory_space<vmem>>
          tpu.wait_dma2 semaphore(%dma_wait3A_379 : memref<!tpu.dma_semaphore, #tpu.memory_space<semaphore_mem>>) src(%dma_wait3A_390 : memref<128x128xf32, #tpu.memory_space<vmem>>) dst(%dma_wait3A_386 : memref<128x128xf32, #tpu.memory_space<hbm>>)
        } else {
        }
        %dma_start3A_351 = arith.constant 0 : i32
        %dma_start3A_352 = arith.constant 0 : i32
        %dma_start3A_353 = arith.constant 0 : i32
        %dma_start3A_354 = arith.constant 0 : i32
        %dma_start3A_355 = tpu.memref_slice %arg6[%dma_start3A_351, %dma_start3A_353, %dma_start3A_354] : memref<4x128x128xf32, #tpu.memory_space<vmem>> -> memref<1x128x128xf32, #tpu.memory_space<vmem>>
        %dma_start3A_356 = tpu.memref_squeeze %dma_start3A_355 : memref<1x128x128xf32, #tpu.memory_space<vmem>> -> memref<128x128xf32, #tpu.memory_space<vmem>>
        %dma_start3A_357 = arith.constant 0 : i32
        %dma_start3A_358 = tpu.memref_slice %arg5[%add3A_250, %dma_start3A_357] : memref<200x128xi32, #tpu.memory_space<vmem>> -> memref<1x128xi32, #tpu.memory_space<vmem>>
        %dma_start3A_359 = tpu.memref_squeeze %dma_start3A_358 : memref<1x128xi32, #tpu.memory_space<vmem>> -> memref<128xi32, #tpu.memory_space<vmem>>
        %dma_start3A_360 = arith.constant 0 : i32
        %dma_start3A_361 = arith.constant 0 : i32
        %dma_start3A_362 = tpu.memref_slice %arg7[%dma_start3A_360, %dma_start3A_361] : memref<1002x128xf32, #tpu.memory_space<vmem_shared>> -> memref<1002x128xf32, #tpu.memory_space<vmem_shared>>
        %dma_start3A_363 = tpu.memref_slice %arg8[%dma_start3A_352] : memref<4x!tpu.dma_semaphore, #tpu.memory_space<semaphore_mem>> -> memref<1x!tpu.dma_semaphore, #tpu.memory_space<semaphore_mem>>
        %dma_start3A_364 = tpu.memref_squeeze %dma_start3A_363 : memref<1x!tpu.dma_semaphore, #tpu.memory_space<semaphore_mem>> -> memref<!tpu.dma_semaphore, #tpu.memory_space<semaphore_mem>>
        tpu.enqueue_indirect_dma source(%dma_start3A_362 : memref<1002x128xf32, #tpu.memory_space<vmem_shared>>) target(%dma_start3A_356 : memref<128x128xf32, #tpu.memory_space<vmem>>) offsets(%dma_start3A_359 : memref<128xi32, #tpu.memory_space<vmem>>) semaphore(%dma_start3A_364 : memref<!tpu.dma_semaphore, #tpu.memory_space<semaphore_mem>>)
      } else {
      }
      %dma_wait3A_256 = arith.constant 0 : i32
      %dma_wait3A_257 = arith.constant 2 : i32
      %dma_wait3A_258 = arith.constant 2 : i32
      %dma_wait3A_259 = arith.constant 0 : i32
      %dma_wait3A_260 = arith.constant 0 : i32
      %dma_wait3A_261 = tpu.memref_slice %arg6[%dma_wait3A_257, %dma_wait3A_259, %dma_wait3A_260] : memref<4x128x128xf32, #tpu.memory_space<vmem>> -> memref<1x128x128xf32, #tpu.memory_space<vmem>>
      %dma_wait3A_262 = tpu.memref_squeeze %dma_wait3A_261 : memref<1x128x128xf32, #tpu.memory_space<vmem>> -> memref<128x128xf32, #tpu.memory_space<vmem>>
      %dma_wait3A_263 = arith.constant 0 : i32
      %dma_wait3A_264 = tpu.memref_slice %arg5[%dma_wait3A_256, %dma_wait3A_263] : memref<200x128xi32, #tpu.memory_space<vmem>> -> memref<1x128xi32, #tpu.memory_space<vmem>>
      %dma_wait3A_265 = tpu.memref_squeeze %dma_wait3A_264 : memref<1x128xi32, #tpu.memory_space<vmem>> -> memref<128xi32, #tpu.memory_space<vmem>>
      %dma_wait3A_266 = arith.constant 0 : i32
      %dma_wait3A_267 = arith.constant 0 : i32
      %dma_wait3A_268 = tpu.memref_slice %arg7[%dma_wait3A_266, %dma_wait3A_267] : memref<1002x128xf32, #tpu.memory_space<vmem_shared>> -> memref<1002x128xf32, #tpu.memory_space<vmem_shared>>
      %dma_wait3A_269 = tpu.memref_slice %arg8[%dma_wait3A_258] : memref<4x!tpu.dma_semaphore, #tpu.memory_space<semaphore_mem>> -> memref<1x!tpu.dma_semaphore, #tpu.memory_space<semaphore_mem>>
      %dma_wait3A_270 = tpu.memref_squeeze %dma_wait3A_269 : memref<1x!tpu.dma_semaphore, #tpu.memory_space<semaphore_mem>> -> memref<!tpu.dma_semaphore, #tpu.memory_space<semaphore_mem>>
      tpu.wait_indirect_dma semaphore(%dma_wait3A_270 : memref<!tpu.dma_semaphore, #tpu.memory_space<semaphore_mem>>) src(%dma_wait3A_268 : memref<1002x128xf32, #tpu.memory_space<vmem_shared>>) dst(%dma_wait3A_262 : memref<128x128xf32, #tpu.memory_space<vmem>>)
      %mul3A_271 = arith.constant 128 : i32
      %mul3A_272 = arith.muli %add3A_248, %mul3A_271 : i32
      %dma_start3A_273 = arith.constant 2 : i32
      %dma_start3A_274 = arith.constant 2 : i32
      %dma_start3A_275 = arith.constant 0 : i32
      %dma_start3A_276 = arith.constant 0 : i32
      %dma_start3A_277 = tpu.memref_slice %arg6[%dma_start3A_273, %dma_start3A_275, %dma_start3A_276] : memref<4x128x128xf32, #tpu.memory_space<vmem>> -> memref<1x128x128xf32, #tpu.memory_space<vmem>>
      %dma_start3A_278 = tpu.memref_squeeze %dma_start3A_277 : memref<1x128x128xf32, #tpu.memory_space<vmem>> -> memref<128x128xf32, #tpu.memory_space<vmem>>
      %dma_start3A_279 = arith.constant 0 : i32
      %dma_start3A_280 = arith.constant 0 : i32
      %dma_start3A_281 = tpu.memref_slice %arg4[%add3A, %dma_start3A_279, %dma_start3A_280] : memref<32x25600x128xf32, #tpu.memory_space<hbm>> -> memref<1x25600x128xf32, #tpu.memory_space<hbm>>
      %dma_start3A_282 = tpu.memref_squeeze %dma_start3A_281 : memref<1x25600x128xf32, #tpu.memory_space<hbm>> -> memref<25600x128xf32, #tpu.memory_space<hbm>>
      %dma_start3A_283 = arith.constant 0 : i32
      %dma_start3A_284 = tpu.memref_slice %dma_start3A_282[%mul3A_272, %dma_start3A_283] : memref<25600x128xf32, #tpu.memory_space<hbm>> -> memref<128x128xf32, #tpu.memory_space<hbm>>
      %dma_start3A_285 = tpu.memref_slice %arg9[%dma_start3A_274] : memref<4x!tpu.dma_semaphore, #tpu.memory_space<semaphore_mem>> -> memref<1x!tpu.dma_semaphore, #tpu.memory_space<semaphore_mem>>
      %dma_start3A_286 = tpu.memref_squeeze %dma_start3A_285 : memref<1x!tpu.dma_semaphore, #tpu.memory_space<semaphore_mem>> -> memref<!tpu.dma_semaphore, #tpu.memory_space<semaphore_mem>>
      %dma_start3A_287 = arith.constant 0 : i32
      %dma_start3A_288 = arith.constant 0 : i32
      %dma_start3A_289 = tpu.memref_slice %arg4[%add3A, %dma_start3A_287, %dma_start3A_288] : memref<32x25600x128xf32, #tpu.memory_space<hbm>> -> memref<1x25600x128xf32, #tpu.memory_space<hbm>>
      %dma_start3A_290 = tpu.memref_squeeze %dma_start3A_289 : memref<1x25600x128xf32, #tpu.memory_space<hbm>> -> memref<25600x128xf32, #tpu.memory_space<hbm>>
      %dma_start3A_291 = arith.constant 0 : i32
      %dma_start3A_292 = tpu.memref_slice %dma_start3A_290[%mul3A_272, %dma_start3A_291] : memref<25600x128xf32, #tpu.memory_space<hbm>> -> memref<128x128xf32, #tpu.memory_space<hbm>>
      %dma_start3A_293 = arith.constant 0 : i32
      %dma_start3A_294 = arith.constant 0 : i32
      %dma_start3A_295 = tpu.memref_slice %arg6[%dma_start3A_273, %dma_start3A_293, %dma_start3A_294] : memref<4x128x128xf32, #tpu.memory_space<vmem>> -> memref<1x128x128xf32, #tpu.memory_space<vmem>>
      %dma_start3A_296 = tpu.memref_squeeze %dma_start3A_295 : memref<1x128x128xf32, #tpu.memory_space<vmem>> -> memref<128x128xf32, #tpu.memory_space<vmem>>
      tpu.enqueue_dma source(%dma_start3A_296 : memref<128x128xf32, #tpu.memory_space<vmem>>) target(%dma_start3A_292 : memref<128x128xf32, #tpu.memory_space<hbm>>) target_semaphore(%dma_start3A_286 : memref<!tpu.dma_semaphore, #tpu.memory_space<semaphore_mem>>)
      %add3A_297 = arith.constant 3 : i32
      %add3A_298 = arith.addi %mul3A_146, %add3A_297 : i32
      %add3A_299 = arith.constant 2 : i32
      %add3A_300 = arith.addi %add3A_298, %add3A_299 : i32
      %lt3A_301 = arith.constant 200 : i32
      %lt3A_302 = arith.cmpi slt, %add3A_300, %lt3A_301 : i32
      %convert_element_type3A_303 = arith.extui %lt3A_302 : i1 to i32
      %cond3A_304 = arith.constant 0 : i32
      %cond3A_305 = arith.cmpi ne, %convert_element_type3A_303, %cond3A_304 : i32
      scf.if %cond3A_305 {
        %ge3A = arith.constant 4 : i32
        %ge3A_347 = arith.cmpi sge, %add3A_300, %ge3A : i32
        %convert_element_type3A_348 = arith.extui %ge3A_347 : i1 to i32
        %cond3A_349 = arith.constant 0 : i32
        %cond3A_350 = arith.cmpi ne, %convert_element_type3A_348, %cond3A_349 : i32
        scf.if %cond3A_350 {
          %dma_wait3A_365 = arith.constant 1 : i32
          %dma_wait3A_366 = arith.constant 1 : i32
          %dma_wait3A_367 = arith.constant 0 : i32
          %dma_wait3A_368 = arith.constant 0 : i32
          %dma_wait3A_369 = tpu.memref_slice %arg6[%dma_wait3A_365, %dma_wait3A_367, %dma_wait3A_368] : memref<4x128x128xf32, #tpu.memory_space<vmem>> -> memref<1x128x128xf32, #tpu.memory_space<vmem>>
          %dma_wait3A_370 = tpu.memref_squeeze %dma_wait3A_369 : memref<1x128x128xf32, #tpu.memory_space<vmem>> -> memref<128x128xf32, #tpu.memory_space<vmem>>
          %dma_wait3A_371 = arith.constant 0 : i32
          %dma_wait3A_372 = arith.constant 0 : i32
          %dma_wait3A_373 = tpu.memref_slice %arg4[%add3A, %dma_wait3A_371, %dma_wait3A_372] : memref<32x25600x128xf32, #tpu.memory_space<hbm>> -> memref<1x25600x128xf32, #tpu.memory_space<hbm>>
          %dma_wait3A_374 = tpu.memref_squeeze %dma_wait3A_373 : memref<1x25600x128xf32, #tpu.memory_space<hbm>> -> memref<25600x128xf32, #tpu.memory_space<hbm>>
          %dma_wait3A_375 = arith.constant 0 : i32
          %dma_wait3A_376 = arith.constant 0 : i32
          %dma_wait3A_377 = tpu.memref_slice %dma_wait3A_374[%dma_wait3A_375, %dma_wait3A_376] : memref<25600x128xf32, #tpu.memory_space<hbm>> -> memref<128x128xf32, #tpu.memory_space<hbm>>
          %dma_wait3A_378 = tpu.memref_slice %arg9[%dma_wait3A_366] : memref<4x!tpu.dma_semaphore, #tpu.memory_space<semaphore_mem>> -> memref<1x!tpu.dma_semaphore, #tpu.memory_space<semaphore_mem>>
          %dma_wait3A_379 = tpu.memref_squeeze %dma_wait3A_378 : memref<1x!tpu.dma_semaphore, #tpu.memory_space<semaphore_mem>> -> memref<!tpu.dma_semaphore, #tpu.memory_space<semaphore_mem>>
          %dma_wait3A_380 = arith.constant 0 : i32
          %dma_wait3A_381 = arith.constant 0 : i32
          %dma_wait3A_382 = tpu.memref_slice %arg4[%add3A, %dma_wait3A_380, %dma_wait3A_381] : memref<32x25600x128xf32, #tpu.memory_space<hbm>> -> memref<1x25600x128xf32, #tpu.memory_space<hbm>>
          %dma_wait3A_383 = tpu.memref_squeeze %dma_wait3A_382 : memref<1x25600x128xf32, #tpu.memory_space<hbm>> -> memref<25600x128xf32, #tpu.memory_space<hbm>>
          %dma_wait3A_384 = arith.constant 0 : i32
          %dma_wait3A_385 = arith.constant 0 : i32
          %dma_wait3A_386 = tpu.memref_slice %dma_wait3A_383[%dma_wait3A_384, %dma_wait3A_385] : memref<25600x128xf32, #tpu.memory_space<hbm>> -> memref<128x128xf32, #tpu.memory_space<hbm>>
          %dma_wait3A_387 = arith.constant 0 : i32
          %dma_wait3A_388 = arith.constant 0 : i32
          %dma_wait3A_389 = tpu.memref_slice %arg6[%dma_wait3A_365, %dma_wait3A_387, %dma_wait3A_388] : memref<4x128x128xf32, #tpu.memory_space<vmem>> -> memref<1x128x128xf32, #tpu.memory_space<vmem>>
          %dma_wait3A_390 = tpu.memref_squeeze %dma_wait3A_389 : memref<1x128x128xf32, #tpu.memory_space<vmem>> -> memref<128x128xf32, #tpu.memory_space<vmem>>
          tpu.wait_dma2 semaphore(%dma_wait3A_379 : memref<!tpu.dma_semaphore, #tpu.memory_space<semaphore_mem>>) src(%dma_wait3A_390 : memref<128x128xf32, #tpu.memory_space<vmem>>) dst(%dma_wait3A_386 : memref<128x128xf32, #tpu.memory_space<hbm>>)
        } else {
        }
        %dma_start3A_351 = arith.constant 1 : i32
        %dma_start3A_352 = arith.constant 1 : i32
        %dma_start3A_353 = arith.constant 0 : i32
        %dma_start3A_354 = arith.constant 0 : i32
        %dma_start3A_355 = tpu.memref_slice %arg6[%dma_start3A_351, %dma_start3A_353, %dma_start3A_354] : memref<4x128x128xf32, #tpu.memory_space<vmem>> -> memref<1x128x128xf32, #tpu.memory_space<vmem>>
        %dma_start3A_356 = tpu.memref_squeeze %dma_start3A_355 : memref<1x128x128xf32, #tpu.memory_space<vmem>> -> memref<128x128xf32, #tpu.memory_space<vmem>>
        %dma_start3A_357 = arith.constant 0 : i32
        %dma_start3A_358 = tpu.memref_slice %arg5[%add3A_300, %dma_start3A_357] : memref<200x128xi32, #tpu.memory_space<vmem>> -> memref<1x128xi32, #tpu.memory_space<vmem>>
        %dma_start3A_359 = tpu.memref_squeeze %dma_start3A_358 : memref<1x128xi32, #tpu.memory_space<vmem>> -> memref<128xi32, #tpu.memory_space<vmem>>
        %dma_start3A_360 = arith.constant 0 : i32
        %dma_start3A_361 = arith.constant 0 : i32
        %dma_start3A_362 = tpu.memref_slice %arg7[%dma_start3A_360, %dma_start3A_361] : memref<1002x128xf32, #tpu.memory_space<vmem_shared>> -> memref<1002x128xf32, #tpu.memory_space<vmem_shared>>
        %dma_start3A_363 = tpu.memref_slice %arg8[%dma_start3A_352] : memref<4x!tpu.dma_semaphore, #tpu.memory_space<semaphore_mem>> -> memref<1x!tpu.dma_semaphore, #tpu.memory_space<semaphore_mem>>
        %dma_start3A_364 = tpu.memref_squeeze %dma_start3A_363 : memref<1x!tpu.dma_semaphore, #tpu.memory_space<semaphore_mem>> -> memref<!tpu.dma_semaphore, #tpu.memory_space<semaphore_mem>>
        tpu.enqueue_indirect_dma source(%dma_start3A_362 : memref<1002x128xf32, #tpu.memory_space<vmem_shared>>) target(%dma_start3A_356 : memref<128x128xf32, #tpu.memory_space<vmem>>) offsets(%dma_start3A_359 : memref<128xi32, #tpu.memory_space<vmem>>) semaphore(%dma_start3A_364 : memref<!tpu.dma_semaphore, #tpu.memory_space<semaphore_mem>>)
      } else {
      }
      %dma_wait3A_306 = arith.constant 0 : i32
      %dma_wait3A_307 = arith.constant 3 : i32
      %dma_wait3A_308 = arith.constant 3 : i32
      %dma_wait3A_309 = arith.constant 0 : i32
      %dma_wait3A_310 = arith.constant 0 : i32
      %dma_wait3A_311 = tpu.memref_slice %arg6[%dma_wait3A_307, %dma_wait3A_309, %dma_wait3A_310] : memref<4x128x128xf32, #tpu.memory_space<vmem>> -> memref<1x128x128xf32, #tpu.memory_space<vmem>>
      %dma_wait3A_312 = tpu.memref_squeeze %dma_wait3A_311 : memref<1x128x128xf32, #tpu.memory_space<vmem>> -> memref<128x128xf32, #tpu.memory_space<vmem>>
      %dma_wait3A_313 = arith.constant 0 : i32
      %dma_wait3A_314 = tpu.memref_slice %arg5[%dma_wait3A_306, %dma_wait3A_313] : memref<200x128xi32, #tpu.memory_space<vmem>> -> memref<1x128xi32, #tpu.memory_space<vmem>>
      %dma_wait3A_315 = tpu.memref_squeeze %dma_wait3A_314 : memref<1x128xi32, #tpu.memory_space<vmem>> -> memref<128xi32, #tpu.memory_space<vmem>>
      %dma_wait3A_316 = arith.constant 0 : i32
      %dma_wait3A_317 = arith.constant 0 : i32
      %dma_wait3A_318 = tpu.memref_slice %arg7[%dma_wait3A_316, %dma_wait3A_317] : memref<1002x128xf32, #tpu.memory_space<vmem_shared>> -> memref<1002x128xf32, #tpu.memory_space<vmem_shared>>
      %dma_wait3A_319 = tpu.memref_slice %arg8[%dma_wait3A_308] : memref<4x!tpu.dma_semaphore, #tpu.memory_space<semaphore_mem>> -> memref<1x!tpu.dma_semaphore, #tpu.memory_space<semaphore_mem>>
      %dma_wait3A_320 = tpu.memref_squeeze %dma_wait3A_319 : memref<1x!tpu.dma_semaphore, #tpu.memory_space<semaphore_mem>> -> memref<!tpu.dma_semaphore, #tpu.memory_space<semaphore_mem>>
      tpu.wait_indirect_dma semaphore(%dma_wait3A_320 : memref<!tpu.dma_semaphore, #tpu.memory_space<semaphore_mem>>) src(%dma_wait3A_318 : memref<1002x128xf32, #tpu.memory_space<vmem_shared>>) dst(%dma_wait3A_312 : memref<128x128xf32, #tpu.memory_space<vmem>>)
      %mul3A_321 = arith.constant 128 : i32
      %mul3A_322 = arith.muli %add3A_298, %mul3A_321 : i32
      %dma_start3A_323 = arith.constant 3 : i32
      %dma_start3A_324 = arith.constant 3 : i32
      %dma_start3A_325 = arith.constant 0 : i32
      %dma_start3A_326 = arith.constant 0 : i32
      %dma_start3A_327 = tpu.memref_slice %arg6[%dma_start3A_323, %dma_start3A_325, %dma_start3A_326] : memref<4x128x128xf32, #tpu.memory_space<vmem>> -> memref<1x128x128xf32, #tpu.memory_space<vmem>>
      %dma_start3A_328 = tpu.memref_squeeze %dma_start3A_327 : memref<1x128x128xf32, #tpu.memory_space<vmem>> -> memref<128x128xf32, #tpu.memory_space<vmem>>
      %dma_start3A_329 = arith.constant 0 : i32
      %dma_start3A_330 = arith.constant 0 : i32
      %dma_start3A_331 = tpu.memref_slice %arg4[%add3A, %dma_start3A_329, %dma_start3A_330] : memref<32x25600x128xf32, #tpu.memory_space<hbm>> -> memref<1x25600x128xf32, #tpu.memory_space<hbm>>
      %dma_start3A_332 = tpu.memref_squeeze %dma_start3A_331 : memref<1x25600x128xf32, #tpu.memory_space<hbm>> -> memref<25600x128xf32, #tpu.memory_space<hbm>>
      %dma_start3A_333 = arith.constant 0 : i32
      %dma_start3A_334 = tpu.memref_slice %dma_start3A_332[%mul3A_322, %dma_start3A_333] : memref<25600x128xf32, #tpu.memory_space<hbm>> -> memref<128x128xf32, #tpu.memory_space<hbm>>
      %dma_start3A_335 = tpu.memref_slice %arg9[%dma_start3A_324] : memref<4x!tpu.dma_semaphore, #tpu.memory_space<semaphore_mem>> -> memref<1x!tpu.dma_semaphore, #tpu.memory_space<semaphore_mem>>
      %dma_start3A_336 = tpu.memref_squeeze %dma_start3A_335 : memref<1x!tpu.dma_semaphore, #tpu.memory_space<semaphore_mem>> -> memref<!tpu.dma_semaphore, #tpu.memory_space<semaphore_mem>>
      %dma_start3A_337 = arith.constant 0 : i32
      %dma_start3A_338 = arith.constant 0 : i32
      %dma_start3A_339 = tpu.memref_slice %arg4[%add3A, %dma_start3A_337, %dma_start3A_338] : memref<32x25600x128xf32, #tpu.memory_space<hbm>> -> memref<1x25600x128xf32, #tpu.memory_space<hbm>>
      %dma_start3A_340 = tpu.memref_squeeze %dma_start3A_339 : memref<1x25600x128xf32, #tpu.memory_space<hbm>> -> memref<25600x128xf32, #tpu.memory_space<hbm>>
      %dma_start3A_341 = arith.constant 0 : i32
      %dma_start3A_342 = tpu.memref_slice %dma_start3A_340[%mul3A_322, %dma_start3A_341] : memref<25600x128xf32, #tpu.memory_space<hbm>> -> memref<128x128xf32, #tpu.memory_space<hbm>>
      %dma_start3A_343 = arith.constant 0 : i32
      %dma_start3A_344 = arith.constant 0 : i32
      %dma_start3A_345 = tpu.memref_slice %arg6[%dma_start3A_323, %dma_start3A_343, %dma_start3A_344] : memref<4x128x128xf32, #tpu.memory_space<vmem>> -> memref<1x128x128xf32, #tpu.memory_space<vmem>>
      %dma_start3A_346 = tpu.memref_squeeze %dma_start3A_345 : memref<1x128x128xf32, #tpu.memory_space<vmem>> -> memref<128x128xf32, #tpu.memory_space<vmem>>
      tpu.enqueue_dma source(%dma_start3A_346 : memref<128x128xf32, #tpu.memory_space<vmem>>) target(%dma_start3A_342 : memref<128x128xf32, #tpu.memory_space<hbm>>) target_semaphore(%dma_start3A_336 : memref<!tpu.dma_semaphore, #tpu.memory_space<semaphore_mem>>)
    }
    %scan3A_40 = arith.constant 50 : i32
    %dma_wait3A = arith.constant 0 : i32
    %dma_wait3A_41 = arith.constant 0 : i32
    %dma_wait3A_42 = arith.constant 0 : i32
    %dma_wait3A_43 = arith.constant 0 : i32
    %dma_wait3A_44 = tpu.memref_slice %arg6[%dma_wait3A, %dma_wait3A_42, %dma_wait3A_43] : memref<4x128x128xf32, #tpu.memory_space<vmem>> -> memref<1x128x128xf32, #tpu.memory_space<vmem>>
    %dma_wait3A_45 = tpu.memref_squeeze %dma_wait3A_44 : memref<1x128x128xf32, #tpu.memory_space<vmem>> -> memref<128x128xf32, #tpu.memory_space<vmem>>
    %dma_wait3A_46 = arith.constant 0 : i32
    %dma_wait3A_47 = arith.constant 0 : i32
    %dma_wait3A_48 = tpu.memref_slice %arg4[%add3A, %dma_wait3A_46, %dma_wait3A_47] : memref<32x25600x128xf32, #tpu.memory_space<hbm>> -> memref<1x25600x128xf32, #tpu.memory_space<hbm>>
    %dma_wait3A_49 = tpu.memref_squeeze %dma_wait3A_48 : memref<1x25600x128xf32, #tpu.memory_space<hbm>> -> memref<25600x128xf32, #tpu.memory_space<hbm>>
    %dma_wait3A_50 = arith.constant 0 : i32
    %dma_wait3A_51 = arith.constant 0 : i32
    %dma_wait3A_52 = tpu.memref_slice %dma_wait3A_49[%dma_wait3A_50, %dma_wait3A_51] : memref<25600x128xf32, #tpu.memory_space<hbm>> -> memref<128x128xf32, #tpu.memory_space<hbm>>
    %dma_wait3A_53 = tpu.memref_slice %arg9[%dma_wait3A_41] : memref<4x!tpu.dma_semaphore, #tpu.memory_space<semaphore_mem>> -> memref<1x!tpu.dma_semaphore, #tpu.memory_space<semaphore_mem>>
    %dma_wait3A_54 = tpu.memref_squeeze %dma_wait3A_53 : memref<1x!tpu.dma_semaphore, #tpu.memory_space<semaphore_mem>> -> memref<!tpu.dma_semaphore, #tpu.memory_space<semaphore_mem>>
    %dma_wait3A_55 = arith.constant 0 : i32
    %dma_wait3A_56 = arith.constant 0 : i32
    %dma_wait3A_57 = tpu.memref_slice %arg4[%add3A, %dma_wait3A_55, %dma_wait3A_56] : memref<32x25600x128xf32, #tpu.memory_space<hbm>> -> memref<1x25600x128xf32, #tpu.memory_space<hbm>>
    %dma_wait3A_58 = tpu.memref_squeeze %dma_wait3A_57 : memref<1x25600x128xf32, #tpu.memory_space<hbm>> -> memref<25600x128xf32, #tpu.memory_space<hbm>>
    %dma_wait3A_59 = arith.constant 0 : i32
    %dma_wait3A_60 = arith.constant 0 : i32
    %dma_wait3A_61 = tpu.memref_slice %dma_wait3A_58[%dma_wait3A_59, %dma_wait3A_60] : memref<25600x128xf32, #tpu.memory_space<hbm>> -> memref<128x128xf32, #tpu.memory_space<hbm>>
    %dma_wait3A_62 = arith.constant 0 : i32
    %dma_wait3A_63 = arith.constant 0 : i32
    %dma_wait3A_64 = tpu.memref_slice %arg6[%dma_wait3A, %dma_wait3A_62, %dma_wait3A_63] : memref<4x128x128xf32, #tpu.memory_space<vmem>> -> memref<1x128x128xf32, #tpu.memory_space<vmem>>
    %dma_wait3A_65 = tpu.memref_squeeze %dma_wait3A_64 : memref<1x128x128xf32, #tpu.memory_space<vmem>> -> memref<128x128xf32, #tpu.memory_space<vmem>>
    tpu.wait_dma2 semaphore(%dma_wait3A_54 : memref<!tpu.dma_semaphore, #tpu.memory_space<semaphore_mem>>) src(%dma_wait3A_65 : memref<128x128xf32, #tpu.memory_space<vmem>>) dst(%dma_wait3A_61 : memref<128x128xf32, #tpu.memory_space<hbm>>)
    %dma_wait3A_66 = arith.constant 1 : i32
    %dma_wait3A_67 = arith.constant 1 : i32
    %dma_wait3A_68 = arith.constant 0 : i32
    %dma_wait3A_69 = arith.constant 0 : i32
    %dma_wait3A_70 = tpu.memref_slice %arg6[%dma_wait3A_66, %dma_wait3A_68, %dma_wait3A_69] : memref<4x128x128xf32, #tpu.memory_space<vmem>> -> memref<1x128x128xf32, #tpu.memory_space<vmem>>
    %dma_wait3A_71 = tpu.memref_squeeze %dma_wait3A_70 : memref<1x128x128xf32, #tpu.memory_space<vmem>> -> memref<128x128xf32, #tpu.memory_space<vmem>>
    %dma_wait3A_72 = arith.constant 0 : i32
    %dma_wait3A_73 = arith.constant 0 : i32
    %dma_wait3A_74 = tpu.memref_slice %arg4[%add3A, %dma_wait3A_72, %dma_wait3A_73] : memref<32x25600x128xf32, #tpu.memory_space<hbm>> -> memref<1x25600x128xf32, #tpu.memory_space<hbm>>
    %dma_wait3A_75 = tpu.memref_squeeze %dma_wait3A_74 : memref<1x25600x128xf32, #tpu.memory_space<hbm>> -> memref<25600x128xf32, #tpu.memory_space<hbm>>
    %dma_wait3A_76 = arith.constant 0 : i32
    %dma_wait3A_77 = arith.constant 0 : i32
    %dma_wait3A_78 = tpu.memref_slice %dma_wait3A_75[%dma_wait3A_76, %dma_wait3A_77] : memref<25600x128xf32, #tpu.memory_space<hbm>> -> memref<128x128xf32, #tpu.memory_space<hbm>>
    %dma_wait3A_79 = tpu.memref_slice %arg9[%dma_wait3A_67] : memref<4x!tpu.dma_semaphore, #tpu.memory_space<semaphore_mem>> -> memref<1x!tpu.dma_semaphore, #tpu.memory_space<semaphore_mem>>
    %dma_wait3A_80 = tpu.memref_squeeze %dma_wait3A_79 : memref<1x!tpu.dma_semaphore, #tpu.memory_space<semaphore_mem>> -> memref<!tpu.dma_semaphore, #tpu.memory_space<semaphore_mem>>
    %dma_wait3A_81 = arith.constant 0 : i32
    %dma_wait3A_82 = arith.constant 0 : i32
    %dma_wait3A_83 = tpu.memref_slice %arg4[%add3A, %dma_wait3A_81, %dma_wait3A_82] : memref<32x25600x128xf32, #tpu.memory_space<hbm>> -> memref<1x25600x128xf32, #tpu.memory_space<hbm>>
    %dma_wait3A_84 = tpu.memref_squeeze %dma_wait3A_83 : memref<1x25600x128xf32, #tpu.memory_space<hbm>> -> memref<25600x128xf32, #tpu.memory_space<hbm>>
    %dma_wait3A_85 = arith.constant 0 : i32
    %dma_wait3A_86 = arith.constant 0 : i32
    %dma_wait3A_87 = tpu.memref_slice %dma_wait3A_84[%dma_wait3A_85, %dma_wait3A_86] : memref<25600x128xf32, #tpu.memory_space<hbm>> -> memref<128x128xf32, #tpu.memory_space<hbm>>
    %dma_wait3A_88 = arith.constant 0 : i32
    %dma_wait3A_89 = arith.constant 0 : i32
    %dma_wait3A_90 = tpu.memref_slice %arg6[%dma_wait3A_66, %dma_wait3A_88, %dma_wait3A_89] : memref<4x128x128xf32, #tpu.memory_space<vmem>> -> memref<1x128x128xf32, #tpu.memory_space<vmem>>
    %dma_wait3A_91 = tpu.memref_squeeze %dma_wait3A_90 : memref<1x128x128xf32, #tpu.memory_space<vmem>> -> memref<128x128xf32, #tpu.memory_space<vmem>>
    tpu.wait_dma2 semaphore(%dma_wait3A_80 : memref<!tpu.dma_semaphore, #tpu.memory_space<semaphore_mem>>) src(%dma_wait3A_91 : memref<128x128xf32, #tpu.memory_space<vmem>>) dst(%dma_wait3A_87 : memref<128x128xf32, #tpu.memory_space<hbm>>)
    %dma_wait3A_92 = arith.constant 2 : i32
    %dma_wait3A_93 = arith.constant 2 : i32
    %dma_wait3A_94 = arith.constant 0 : i32
    %dma_wait3A_95 = arith.constant 0 : i32
    %dma_wait3A_96 = tpu.memref_slice %arg6[%dma_wait3A_92, %dma_wait3A_94, %dma_wait3A_95] : memref<4x128x128xf32, #tpu.memory_space<vmem>> -> memref<1x128x128xf32, #tpu.memory_space<vmem>>
    %dma_wait3A_97 = tpu.memref_squeeze %dma_wait3A_96 : memref<1x128x128xf32, #tpu.memory_space<vmem>> -> memref<128x128xf32, #tpu.memory_space<vmem>>
    %dma_wait3A_98 = arith.constant 0 : i32
    %dma_wait3A_99 = arith.constant 0 : i32
    %dma_wait3A_100 = tpu.memref_slice %arg4[%add3A, %dma_wait3A_98, %dma_wait3A_99] : memref<32x25600x128xf32, #tpu.memory_space<hbm>> -> memref<1x25600x128xf32, #tpu.memory_space<hbm>>
    %dma_wait3A_101 = tpu.memref_squeeze %dma_wait3A_100 : memref<1x25600x128xf32, #tpu.memory_space<hbm>> -> memref<25600x128xf32, #tpu.memory_space<hbm>>
    %dma_wait3A_102 = arith.constant 0 : i32
    %dma_wait3A_103 = arith.constant 0 : i32
    %dma_wait3A_104 = tpu.memref_slice %dma_wait3A_101[%dma_wait3A_102, %dma_wait3A_103] : memref<25600x128xf32, #tpu.memory_space<hbm>> -> memref<128x128xf32, #tpu.memory_space<hbm>>
    %dma_wait3A_105 = tpu.memref_slice %arg9[%dma_wait3A_93] : memref<4x!tpu.dma_semaphore, #tpu.memory_space<semaphore_mem>> -> memref<1x!tpu.dma_semaphore, #tpu.memory_space<semaphore_mem>>
    %dma_wait3A_106 = tpu.memref_squeeze %dma_wait3A_105 : memref<1x!tpu.dma_semaphore, #tpu.memory_space<semaphore_mem>> -> memref<!tpu.dma_semaphore, #tpu.memory_space<semaphore_mem>>
    %dma_wait3A_107 = arith.constant 0 : i32
    %dma_wait3A_108 = arith.constant 0 : i32
    %dma_wait3A_109 = tpu.memref_slice %arg4[%add3A, %dma_wait3A_107, %dma_wait3A_108] : memref<32x25600x128xf32, #tpu.memory_space<hbm>> -> memref<1x25600x128xf32, #tpu.memory_space<hbm>>
    %dma_wait3A_110 = tpu.memref_squeeze %dma_wait3A_109 : memref<1x25600x128xf32, #tpu.memory_space<hbm>> -> memref<25600x128xf32, #tpu.memory_space<hbm>>
    %dma_wait3A_111 = arith.constant 0 : i32
    %dma_wait3A_112 = arith.constant 0 : i32
    %dma_wait3A_113 = tpu.memref_slice %dma_wait3A_110[%dma_wait3A_111, %dma_wait3A_112] : memref<25600x128xf32, #tpu.memory_space<hbm>> -> memref<128x128xf32, #tpu.memory_space<hbm>>
    %dma_wait3A_114 = arith.constant 0 : i32
    %dma_wait3A_115 = arith.constant 0 : i32
    %dma_wait3A_116 = tpu.memref_slice %arg6[%dma_wait3A_92, %dma_wait3A_114, %dma_wait3A_115] : memref<4x128x128xf32, #tpu.memory_space<vmem>> -> memref<1x128x128xf32, #tpu.memory_space<vmem>>
    %dma_wait3A_117 = tpu.memref_squeeze %dma_wait3A_116 : memref<1x128x128xf32, #tpu.memory_space<vmem>> -> memref<128x128xf32, #tpu.memory_space<vmem>>
    tpu.wait_dma2 semaphore(%dma_wait3A_106 : memref<!tpu.dma_semaphore, #tpu.memory_space<semaphore_mem>>) src(%dma_wait3A_117 : memref<128x128xf32, #tpu.memory_space<vmem>>) dst(%dma_wait3A_113 : memref<128x128xf32, #tpu.memory_space<hbm>>)
    %dma_wait3A_118 = arith.constant 3 : i32
    %dma_wait3A_119 = arith.constant 3 : i32
    %dma_wait3A_120 = arith.constant 0 : i32
    %dma_wait3A_121 = arith.constant 0 : i32
    %dma_wait3A_122 = tpu.memref_slice %arg6[%dma_wait3A_118, %dma_wait3A_120, %dma_wait3A_121] : memref<4x128x128xf32, #tpu.memory_space<vmem>> -> memref<1x128x128xf32, #tpu.memory_space<vmem>>
    %dma_wait3A_123 = tpu.memref_squeeze %dma_wait3A_122 : memref<1x128x128xf32, #tpu.memory_space<vmem>> -> memref<128x128xf32, #tpu.memory_space<vmem>>
    %dma_wait3A_124 = arith.constant 0 : i32
    %dma_wait3A_125 = arith.constant 0 : i32
    %dma_wait3A_126 = tpu.memref_slice %arg4[%add3A, %dma_wait3A_124, %dma_wait3A_125] : memref<32x25600x128xf32, #tpu.memory_space<hbm>> -> memref<1x25600x128xf32, #tpu.memory_space<hbm>>
    %dma_wait3A_127 = tpu.memref_squeeze %dma_wait3A_126 : memref<1x25600x128xf32, #tpu.memory_space<hbm>> -> memref<25600x128xf32, #tpu.memory_space<hbm>>
    %dma_wait3A_128 = arith.constant 0 : i32
    %dma_wait3A_129 = arith.constant 0 : i32
    %dma_wait3A_130 = tpu.memref_slice %dma_wait3A_127[%dma_wait3A_128, %dma_wait3A_129] : memref<25600x128xf32, #tpu.memory_space<hbm>> -> memref<128x128xf32, #tpu.memory_space<hbm>>
    %dma_wait3A_131 = tpu.memref_slice %arg9[%dma_wait3A_119] : memref<4x!tpu.dma_semaphore, #tpu.memory_space<semaphore_mem>> -> memref<1x!tpu.dma_semaphore, #tpu.memory_space<semaphore_mem>>
    %dma_wait3A_132 = tpu.memref_squeeze %dma_wait3A_131 : memref<1x!tpu.dma_semaphore, #tpu.memory_space<semaphore_mem>> -> memref<!tpu.dma_semaphore, #tpu.memory_space<semaphore_mem>>
    %dma_wait3A_133 = arith.constant 0 : i32
    %dma_wait3A_134 = arith.constant 0 : i32
    %dma_wait3A_135 = tpu.memref_slice %arg4[%add3A, %dma_wait3A_133, %dma_wait3A_134] : memref<32x25600x128xf32, #tpu.memory_space<hbm>> -> memref<1x25600x128xf32, #tpu.memory_space<hbm>>
    %dma_wait3A_136 = tpu.memref_squeeze %dma_wait3A_135 : memref<1x25600x128xf32, #tpu.memory_space<hbm>> -> memref<25600x128xf32, #tpu.memory_space<hbm>>
    %dma_wait3A_137 = arith.constant 0 : i32
    %dma_wait3A_138 = arith.constant 0 : i32
    %dma_wait3A_139 = tpu.memref_slice %dma_wait3A_136[%dma_wait3A_137, %dma_wait3A_138] : memref<25600x128xf32, #tpu.memory_space<hbm>> -> memref<128x128xf32, #tpu.memory_space<hbm>>
    %dma_wait3A_140 = arith.constant 0 : i32
    %dma_wait3A_141 = arith.constant 0 : i32
    %dma_wait3A_142 = tpu.memref_slice %arg6[%dma_wait3A_118, %dma_wait3A_140, %dma_wait3A_141] : memref<4x128x128xf32, #tpu.memory_space<vmem>> -> memref<1x128x128xf32, #tpu.memory_space<vmem>>
    %dma_wait3A_143 = tpu.memref_squeeze %dma_wait3A_142 : memref<1x128x128xf32, #tpu.memory_space<vmem>> -> memref<128x128xf32, #tpu.memory_space<vmem>>
    tpu.wait_dma2 semaphore(%dma_wait3A_132 : memref<!tpu.dma_semaphore, #tpu.memory_space<semaphore_mem>>) src(%dma_wait3A_143 : memref<128x128xf32, #tpu.memory_space<vmem>>) dst(%dma_wait3A_139 : memref<128x128xf32, #tpu.memory_space<hbm>>)
    return
  }
}

</mosaic_0001>

<sc_bundles>
// kernel: kernel.3.cloned.1.call-start
scs
__scs_entry_jumppad:
0x0: {  	(pc) =	sbr.rel $0x88, $3  }
0x1: {  	(tag) =	ssettag $0x0;
	lr =	simm.s32 $0x1  }
0x2: {  	[smem:$0x3F9F] =	sst lr;
	_ =	strace $0xD0000000  }
0x3: {  	_ = 	snop  }
0x4: {  	_ = 	snop  }
0x5: {  	_ = 	snop  }
0x6: {  	_ = 	snop  }
0x7: {  	_ = 	snop  }
__scs_overlays_trampoline_lowered:
0x8: {  	[smem:$0x3FAE] =	sst s0  }
0x9: {  	[smem:$0x3FAF] =	sst s1  }
0xa: {  	[smem:$0x3FB0] =	sst s2  }
0xb: {  	[smem:$0x3FB1] =	sst s3  }
0xc: {  	[smem:$0x3FB2] =	sst s4  }
0xd: {  	[smem:$0x3FB3] =	sst s5  }
0xe: {  	[smem:$0x3FB4] =	sst s6  }
0xf: {  	[smem:$0x3FB5] =	sst s7  }
0x10: {  	[smem:$0x3FB6] =	sst s8  }
0x11: {  	[smem:$0x3FB7] =	sst s9;
	s0 =	simm.s32 @!p0 $0x0  }
0x12: {  	s1 =	sld [smem:$0x3F9D];
	s0 =	simm.s32 @p0 $0x1  }
0x13: {  	[smem:$0x3FB8] =	sst s0;
	s0 =	simm.s32 @!p1 $0x0  }
0x14: {  	s2 =	sld [smem:$0x3F9C];
	s0 =	simm.s32 @p1 $0x1  }
0x15: {  	[smem:$0x3FB9] =	sst s0;
	s0 =	simm.s32 @!p2 $0x0  }
0x16: {  	s3 =	sld [smem:$0x3FDB];
	s0 =	simm.s32 @p2 $0x1  }
0x17: {  	s4 =	simm.s32 $0x1BF5;
	[smem:$0x3FBB] =	sst s0  }
0x18: {  	s0 =	sld [smem:$0x3F9E];
	_ =	swait.ge [sflag:s4], $0x0  }
0x19: {  	s7 =	sld [smem:$0x3F9F]  }
0x1a: {  	s8 =	sadd.s32 $0xFFFFE003, lr  }
0x1b: {  	s9 =	sadd.s32 $0xFFFFFEF7, lr;
	s5 =	simm.s32 $0xFFFFFFFF;
	p2 =	slt.u32 s8, $0xFFFFF086  }
0x1c: {  	p1 =	slt.u32 s9, $0xF7A;
	s5 =	simm.s32 @!p2 $0x0  }
0x1d: {  	s5 =	simm.s32 @p1 $0x1;
	p0 =	seq.s32 s7, s2  }
0x1e: {  	s7 =	smul.u32 @!p0 $0xF7A, s2;
	p2 =	seq.s32 @!p0 s5, $0x0  }
0x1f: {  	s9 =	smul.u32 $0xF7A, s1;
	s8 =	simm.s32 @!p0 $0x1BF5;
	p2 =	por !p2, p0  }
0x20: {  	[sflag:s8] =	ssyncset.s32 @!p0 $0xFFFFF086;
	s6 =	sadd.s32 @!p0 s3, s7;
	s7 =	simm.s32 @!p0 $0x108  }
0x21: {  	s3 =	sadd.s32 s3, s9;
	s6 =	sadd.s32 @!p0 $0x88, s6;
	s7 =	simm.s32 @p2 $0x1082  }
0x22: {  	[simem:s7], [sflag:s8] =	dma.local @!p0 [hbm:s6], $0xF7A  }
0x23: {  	s9 =	sor.u32 $0xD0000000, s2;
	s6 =	simm.s32 $0x108;
	_ =	swait.ge @!p0 [sflag:s8], $0x0  }
0x24: {  	s3 =	sadd.s32 $0x88, s3;
	s6 =	simm.s32 @!p1 $0x1082;
	[sflag:s4] =	ssyncset.s32 $0xFFFFF086  }
0x25: {  	[simem:s6], [sflag:s4] =	dma.local [hbm:s3], $0xF7A  }
0x26: {  	[smem:$0x3F9F] =	sst s1;
	(tag) =	ssettag s2;
	_ =	strace s9  }
0x27: {  	s1 =	sld [smem:$0x3FAF]  }
0x28: {  	s2 =	sld [smem:$0x3FB0]  }
0x29: {  	s4 =	sld [smem:$0x3FB2]  }
0x2a: {  	p0 =	seq.s32 s5, $0x0;
	s5 =	sld [smem:$0x3FB3]  }
0x2b: {  	s6 =	sld [smem:$0x3FB4]  }
0x2c: {  	s7 =	sld [smem:$0x3FB5]  }
0x2d: {  	s3 =	simm.s32 $0x108;
	s8 =	sld [smem:$0x3FB6]  }
0x2e: {  	s3 =	simm.s32 @!p0 $0x1082;
	s9 =	sld [smem:$0x3FB7]  }
0x2f: {  	lr =	sadd.s32 s0, s3;
	s0 =	sld [smem:$0x3FAE]  }
0x30: {  	s3 =	sld [smem:$0x3FB1]  }
0x31: {  	[smem:$0x3FBA] =	sst s10  }
0x32: {  	s10 =	sld [smem:$0x3FB8];
	_ =	sdelay $0x3  }
0x33: {  	p0 =	seq.s32 s10, $0x1;
	s10 =	sld [smem:$0x3FBA];
	_ =	sdelay $0x3  }
0x34: {  	[smem:$0x3FBA] =	sst s10  }
0x35: {  	s10 =	sld [smem:$0x3FB9];
	_ =	sdelay $0x3  }
0x36: {  	p1 =	seq.s32 s10, $0x1;
	s10 =	sld [smem:$0x3FBA];
	_ =	sdelay $0x3  }
0x37: {  	[smem:$0x3FBA] =	sst s10  }
0x38: {  	s10 =	sld [smem:$0x3FBB]  }
0x39: {  	_ = 	snop;
	(pc) =	sbr.ind lr, $3  }
0x3a: {  	_ = 	snop  }
0x3b: {  	_ = 	snop  }
0x3c: {  	p2 =	seq.s32 s10, $0x1;
	s10 =	sld [smem:$0x3FBA]  }
0x3d: {  	_ =	shalt  }
0x3e: {  	_ =	shalt  }
0x3f: {  	_ =	shalt  }
0x40: {  	_ =	shalt  }
0x41: {  	_ =	shalt  }
0x42: {  	_ =	shalt  }
0x43: {  	_ =	shalt  }
0x44: {  	_ =	shalt  }
0x45: {  	_ =	shalt  }
0x46: {  	_ =	shalt  }
0x47: {  	_ =	shalt  }
0x48: {  	_ =	shalt  }
0x49: {  	_ =	shalt  }
0x4a: {  	_ =	shalt  }
0x4b: {  	_ =	shalt  }
0x4c: {  	_ =	shalt  }
0x4d: {  	_ =	shalt  }
0x4e: {  	_ =	shalt  }
0x4f: {  	_ =	shalt  }
0x50: {  	_ =	shalt  }
0x51: {  	_ =	shalt  }
0x52: {  	_ =	shalt  }
0x53: {  	_ =	shalt  }
0x54: {  	_ =	shalt  }
0x55: {  	_ =	shalt  }
0x56: {  	_ =	shalt  }
0x57: {  	_ =	shalt  }
0x58: {  	_ =	shalt  }
0x59: {  	_ =	shalt  }
0x5a: {  	_ =	shalt  }
0x5b: {  	_ =	shalt  }
0x5c: {  	_ =	shalt  }
0x5d: {  	_ =	shalt  }
0x5e: {  	_ =	shalt  }
0x5f: {  	_ =	shalt  }
0x60: {  	_ =	shalt  }
0x61: {  	_ =	shalt  }
0x62: {  	_ =	shalt  }
0x63: {  	_ =	shalt  }
0x64: {  	_ =	shalt  }
0x65: {  	_ =	shalt  }
0x66: {  	_ =	shalt  }
0x67: {  	_ =	shalt  }
0x68: {  	_ =	shalt  }
0x69: {  	_ =	shalt  }
0x6a: {  	_ =	shalt  }
0x6b: {  	_ =	shalt  }
0x6c: {  	_ =	shalt  }
0x6d: {  	_ =	shalt  }
0x6e: {  	_ =	shalt  }
0x6f: {  	_ =	shalt  }
0x70: {  	_ =	shalt  }
0x71: {  	_ =	shalt  }
0x72: {  	_ =	shalt  }
0x73: {  	_ =	shalt  }
0x74: {  	_ =	shalt  }
0x75: {  	_ =	shalt  }
0x76: {  	_ =	shalt  }
0x77: {  	_ =	shalt  }
0x78: {  	_ =	shalt  }
0x79: {  	_ =	shalt  }
0x7a: {  	_ =	shalt  }
0x7b: {  	_ =	shalt  }
0x7c: {  	_ =	shalt  }
0x7d: {  	_ =	shalt  }
0x7e: {  	_ =	shalt  }
0x7f: {  	_ =	shalt  }
0x80: {  	_ =	shalt  }
0x81: {  	_ =	shalt  }
0x82: {  	_ =	shalt  }
0x83: {  	_ =	shalt  }
0x84: {  	_ =	shalt  }
0x85: {  	_ =	shalt  }
0x86: {  	_ =	shalt  }
0x87: {  	_ =	shalt  }
.Lfunc_end0:
.L_simem_size_0:
called_computation_lowered:
.L_overlay_start_0:
0x88: {  	s2 =	sld [smem:$0x3FD9]  }
0x89: {  	s3 =	sld [smem:$0x3FFE];
	_ =	sdelay $0x1  }
0x8a: {  	s1 =	srdreg.scid  }
0x8b: {  	s0 =	sand.u32 $0x1, s1  }
0x8c: {  	s17 =	sshll.u32 s0, $0xA;
	s2 =	sadd.s32 s3, s2  }
0x8d: {  	s2 =	sadd.s32 s2, s17  }
0x8e: {  	[smem:$0x3FC6] =	sst s2  }
0x8f: {  	_ = 	snop  }
0x90: {  	s2 =	sld [smem:$0x3FC8]  }
0x91: {  	s18 =	sld [smem:$0x3FD0];
	(tm) =	ssettm $0x1  }
0x92: {  	s4 =	sld [smem:$0x3FFB];
	_ =	sdelay $0x3  }
0x93: {  	_ =	strace s4  }
0x94: {  	s4 =	sld [smem:$0x3FFC];
	_ =	sdelay $0x3  }
0x95: {  	_ =	strace s4  }
0x96: {  	s4 =	sld [smem:$0x3FFD];
	_ =	sdelay $0x3  }
0x97: {  	_ =	strace s4  }
0x98: {  	_ =	strace $0x8FFFFFFF  }
0x99: {  	s19 =	sld [smem:$0x3FDB];
	_ =	sdelay $0x1  }
0x9a: {  	s5 =	simm.s32 $_scs_section_size  }
0x9b: {  	s6 =	simm.s32 $_size__tile_overlayer_lowered;
	s7 =	simm.s32 $_tile_overlayer_lowered  }
0x9c: {  	s22 =	simm.s32 $0x1BFF;
	s21 =	sshll.u32 s7, $0x1;
	s4 =	sadd.s32 s5, s19  }
0x9d: {  	s8 =	simm.s32 $0x0;
	s20 =	sshll.u32 s6, $0x1;
	s6 =	sadd.s32 s21, s4  }
0x9e: {  	[timem:s8], [sflag:s22] =	dma.local [hbm:s6], s20  }
0x9f: {  	_ =	swait.ge [sflag:s22], s20  }
0xa0: {  	s5 =	ssub.s32 $0x0, s20;
	[sflag:s22] =	ssyncset.done $0x0  }
0xa1: {  	[sflag:s22] =	ssyncadd.s32 s5;
	_ =	sdelay $0x1  }
0xa2: {  	s23 =	simm.s32 $0x1B8B  }
0xa3: {  	_ =	swait.ge [sflag:s23], $0x1  }
0xa4: {  	[sflag:s23] =	ssyncset.done $0x0  }
0xa5: {  	s25 =	simm.s32 $0x1B8E;
	s24 =	sld [smem:$0x3FFE];
	[sflag:s23] =	ssyncadd.s32 $0xFFFFFFFF  }
0xa6: {  	s26 =	simm.s32 $execute0_lowered;
	[smem:$0x3FD2] =	sst s25  }
0xa7: {  	s6 =	sshll.u32 s26, $0x1;
	_ =	strace $0x80000046;
	[dreg:$0x1] =	wrdreg $0xFFFFFFFF  }
0xa8: {  	s28 =	simm.s32 $_size_execute0_lowered;
	s4 =	sadd.s32 s4, s6;
	[dreg:$0x0] =	wrdreg $0x0  }
0xa9: {  	s6 =	sshll.u32 s28, $0x1;
	[dreg:$0x2] =	wrdreg s4  }
0xaa: {  	[dreg:$0x3] =	wrdreg s6  }
0xab: {  	[dreg:$0x4] =	wrdreg $0xC0  }
0xac: {  	_ =	task [dreg:s8], $0x5FFFF  }
0xad: {  	[dreg:$0x1] =	wrdreg $0xFFFFFFFF  }
0xae: {  	[dreg:$0x0] =	wrdreg $0x60  }
0xaf: {  	[dreg:$0x2] =	wrdreg s2  }
0xb0: {  	[dreg:$0x3] =	wrdreg s24  }
0xb1: {  	[dreg:$0x4] =	wrdreg s18  }
0xb2: {  	[dreg:$0x5] =	wrdreg $0x164000  }
0xb3: {  	[dreg:$0x6] =	wrdreg $0x9  }
0xb4: {  	_ =	task.clear_ibuf [dreg:s8], $0x7FFFF;
	_ =	strace $0x90000046  }
0xb5: {  	s29 =	simm.s32 $0x9;
	_ =	strace $0x80000048  }
0xb6: {  	_ =	swait.ge [sflag:s29], $0x1  }
0xb7: {  	[sflag:s29] =	ssyncadd.s32 $0xFFFFFFFF  }
0xb8: {  	_ =	strace $0x90000048  }
0xb9: {  	_ =	sfence  }
0xba: {  	s30 =	sld [smem:$0x0];
	_ =	sdelay $0x2  }
0xbb: {  	s31 =	sshll.u32 s1, $0xD;
	s1 =	sshrl.u32 s1, $0x2  }
0xbc: {  	s3 =	sand.u32 $0x4000, s31;
	s1 =	sadd.s32 s1, s30  }
0xbd: {  	s0 =	sor.u32 s3, s0;
	s1 =	sshll.u32 s1, $0x11  }
0xbe: {  	s0 =	sor.u32 s1, s0  }
0xbf: {  	s0 =	sadd.s32 $0x8F2B, s0  }
0xc0: {  	[sflag:s0] =	ssyncadd.remote.s32 $0x1  }
0xc1: {  	_ =	sfence.sel $0xFFFF  }
0xc2: {  	[dreg:$0x0] =	wrdreg $0xFFFFFFFF;
	(pc) =	sbr.abs _section_cstart, $3  }
0xc3: {  	[dreg:$0x1] =	wrdreg $0xFFFFFFFF  }
0xc4: {  	_ =	task.clear_ibuf [dreg:s8], $0x2FFFF;
	_ =	strace $0x9FFFFFFF  }
0xc5: {  	(tm) =	ssettm $0x7FFFFFFF  }
tec
execute0_lowered:
.L_overlay_start_1:
0x0: {  	(tag) =	ssettag $0x1  }
0x1: {  	s5 =	rddreg [dreg:$0x0]  }
0x2: {  	s4 =	rddreg [dreg:$0x1]  }
0x3: {  	s7 =	rddreg [dreg:$0x2];
	s1 =	srdreg.scid  }
0x4: {  	s0 =	stileid.u32;
	s2 =	rddreg [dreg:$0x3];
	s3 =	simm.s32 $0x0  }
0x5: {  	s13 =	simm.s32 $0x80;
	s16 =	simm.s32 $0xE400;
	s14 =	simm.s32 $0x6400  }
0x6: {  	s15 =	simm.s32 $0xA400;
	s17 =	simm.s32 $0x12400;
	s18 =	simm.s32 $0x2  }
0x7: {  	s19 =	simm.s32 $0x4;
	s20 =	simm.s32 $0x5;
	s21 =	simm.s32 $0x6  }
0x8: {  	s22 =	simm.s32 $0x7;
	s23 =	simm.s32 $0x8;
	s24 =	simm.s32 $0x0  }
0x9: {  	s6 =	sand.u32 $0x1, s1;
	s8 =	sshll.u32 s0, $0x1;
	[smem:$0x7FF] =	sst s3  }
0xa: {  	s10 =	sshll.u32 s0, $0xD;
	s29 =	sshll.u32 s0, $0xA;
	s31 =	sadd.s32 $0x3B00, s5  }
0xb: {  	p0 =	seq.s32 s0, $0xF;
	s8 =	sor.u32 s6, s8;
	_ =	strace $0x80000047  }
0xc: {  	s6 =	ssub.s32 $0x2, s6;
	s12 =	sadd.s32 s10, s2;
	s30 =	sadd.s32 s5, s29  }
0xd: {  	s10 =	sadd.s32 $0x1D800, s2;
	[dreg:$0x7] =	wrdreg s31;
	s9 =	smul.u32 $0xC80, s8  }
0xe: {  	[dreg:$0x5] =	wrdreg s16;
	s28 =	sshrl.u32 s6, $0x1;
	s8 =	smul.u32 $0x64000, s8  }
0xf: {  	s16 =	simm.s32 $0x1;
	[dreg:$0x6] =	wrdreg s30;
	s11 =	ssub.s32 s6, s28  }
0x10: {  	s9 =	sadd.s32 s9, s4;
	s7 =	sadd.s32 s7, s8;
	s8 =	smax.u32 s11, $0x1  }
0x11: {  	s11 =	sshll.u32 @!p0 s0, $0x6;
	s6 =	sadd.s32 $0x400, s9;
	s9 =	sshrl.u32 @p0 s10, $0x3  }
0x12: {  	s10 =	sor.u32 @!p0 $0x1C09, s11;
	s11 =	sshrl.u32 @!p0 s12, $0x3;
	s12 =	simm.s32 $0x9  }
.LBB2_1:
0x13: {  	s25 =	simm.s32 @p0 $0x1FC9;
	s0 =	rddreg [dreg:$0x7]  }
0x14: {  	[spmem:s9], [sflag:s25] =	dma.local @p0 [hbm:s0], $0x3A0  }
0x15: {  	s25 =	simm.s32 @p0 $0x9  }
0x16: {  	_ =	swait.ge @p0 [sflag:s25], $0x3A0  }
0x17: {  	[sflag:s25] =	ssyncset.done @p0 $0x0  }
0x18: {  	s0 =	rddreg [dreg:$0x6];
	[sflag:s25] =	ssyncadd.s32 @p0 $0xFFFFFC60;
	s25 =	simm.s32 @!p0 $0x9  }
0x19: {  	[spmem:s11], [sflag:s10] =	dma.local @!p0 [hbm:s0], $0x400  }
0x1a: {  	_ =	swait.ge @!p0 [sflag:s25], $0x400  }
0x1b: {  	[sflag:s25] =	ssyncset.done @!p0 $0x0  }
0x1c: {  	[sflag:s25] =	ssyncadd.s32 @!p0 $0xFFFFFC00  }
0x1d: {  	[tilespmem:s3], [sflag:$0x9] =	stream.linear.gather [hbm4b:s6+s3], $0x6400, $0x38;
	[tilespmem:$0x18350] =	vst v63  }
0x1e: {  	_ =	swait.ge [sflag:s12], $0x6400  }
0x1f: {  	[sflag:s12] =	ssyncset.done $0x0  }
0x20: {  	[sflag:s12] =	ssyncadd.s32 $0xFFFF9C00  }
0x21: {  	p1 =	por $0x1, $0x1;
	[bflag:$0x0] =	sbarrier.arrive $0xFFFF  }
0x22: {  	[tilespmem:s14], [sflag:$0x1] =	stream.indirect.gather [spmem:s2], $0x80, s3, s13, $0xb8;
	[tilespmem:$0x18350] =	vst v63  }
0x23: {  	s25 =	simm.s32 @!p1 $0x7  }
0x24: {  	[tilespmem:s15], [sflag:$0x2] =	stream.indirect.gather [spmem:s2], $0x80, s13, s13, $0xb8;
	[tilespmem:$0x18350] =	vst v63  }
0x25: {  	_ =	swait.ge @!p1 [sflag:s25], $0x4000  }
0x26: {  	[sflag:s25] =	ssyncset.done @!p1 $0x0  }
0x27: {  	s4 =	simm.s32 $0x100;
	s26 =	rddreg [dreg:$0x5];
	[sflag:s25] =	ssyncadd.s32 @!p1 $0xFFFFC000  }
0x28: {  	[tilespmem:s26], [sflag:$0x3] =	stream.indirect.gather [spmem:s2], $0x80, s4, s13, $0xb8;
	[tilespmem:$0x18350] =	vst v63  }
0x29: {  	_ =	swait.ge [sflag:s16], $0x4000  }
0x2a: {  	[sflag:s16] =	ssyncset.done $0x0  }
0x2b: {  	s5 =	sadd.s32 $0x0, s7;
	s26 =	simm.s32 @!p1 $0x8;
	[sflag:s16] =	ssyncadd.s32 $0xFFFFC000  }
0x2c: {  	[hbm4b:s5+s3] =	stream.linear.scatter [tilespmem:s14], [sflag:$0x5], $0x4000, $0x38;
	[tilespmem:$0x18350] =	vst v63  }
0x2d: {  	_ =	swait.ge @!p1 [sflag:s26], $0x4000  }
0x2e: {  	[sflag:s26] =	ssyncset.done @!p1 $0x0  }
0x2f: {  	s28 =	simm.s32 $0x180;
	[sflag:s26] =	ssyncadd.s32 @!p1 $0xFFFFC000  }
0x30: {  	[tilespmem:s17], [sflag:$0x4] =	stream.indirect.gather [spmem:s2], $0x80, s28, s13, $0xb8;
	[tilespmem:$0x18350] =	vst v63  }
0x31: {  	_ =	swait.ge [sflag:s18], $0x4000  }
0x32: {  	p1 =	por $0x0, $0x0;
	[sflag:s18] =	ssyncset.done $0x0  }
0x33: {  	s31 =	sadd.s32 $0x800, s5;
	s28 =	simm.s32 @p1 $0x3;
	[sflag:s18] =	ssyncadd.s32 $0xFFFFC000  }
0x34: {  	[hbm4b:s31+s3] =	stream.linear.scatter [tilespmem:s15], [sflag:$0x6], $0x4000, $0x38;
	[tilespmem:$0x18350] =	vst v63  }
0x35: {  	_ =	swait.ge @p1 [sflag:s28], $0x4000  }
0x36: {  	s26 =	simm.s32 @p1 $0xE400;
	s29 =	sadd.s32 @p1 $0x63000, s7;
	[sflag:s28] =	ssyncset.done @p1 $0x0  }
0x37: {  	s30 =	simm.s32 @p1 $0x0;
	[sflag:s28] =	ssyncadd.s32 @p1 $0xFFFFC000;
	s28 =	simm.s32 @!p1 $0x5  }
0x38: {  	[hbm4b:s29+s30] =	stream.linear.scatter @p1 [tilespmem:s26], [sflag:$0x7], $0x4000, $0x38;
	[tilespmem:$0x18350] =	vst v63  }
0x39: {  	_ =	swait.ge @!p1 [sflag:s28], $0x4000  }
0x3a: {  	s26 =	simm.s32 @!p1 $0x6400;
	s29 =	simm.s32 @!p1 $0x200;
	[sflag:s28] =	ssyncset.done @!p1 $0x0  }
0x3b: {  	s30 =	simm.s32 @!p1 $0x80;
	[sflag:s28] =	ssyncadd.s32 @!p1 $0xFFFFC000;
	s28 =	simm.s32 @!p1 $0x3  }
0x3c: {  	[tilespmem:s26], [sflag:$0x1] =	stream.indirect.gather @!p1 [spmem:s2], $0x80, s29, s30, $0xb8;
	[tilespmem:$0x18350] =	vst v63  }
0x3d: {  	s31 =	simm.s32 @!p1 $0xE400;
	_ =	swait.ge @!p1 [sflag:s28], $0x4000  }
0x3e: {  	s26 =	sadd.s32 @!p1 $0x0, s7;
	s29 =	simm.s32 @!p1 $0x0;
	[sflag:s28] =	ssyncset.done @!p1 $0x0  }
0x3f: {  	s26 =	sadd.s32 @!p1 $0x1000, s26;
	[sflag:s28] =	ssyncadd.s32 @!p1 $0xFFFFC000;
	s28 =	simm.s32 @!p1 $0x6  }
0x40: {  	[hbm4b:s26+s29] =	stream.linear.scatter @!p1 [tilespmem:s31], [sflag:$0x7], $0x4000, $0x38;
	[tilespmem:$0x18350] =	vst v63  }
0x41: {  	p2 =	por $0x0, $0x0;
	_ =	swait.ge @!p1 [sflag:s28], $0x4000  }
0x42: {  	s25 =	simm.s32 $0x480;
	s26 =	simm.s32 $0x280;
	[sflag:s28] =	ssyncset.done @!p1 $0x0  }
0x43: {  	s29 =	simm.s32 @!p1 $0xA400;
	[sflag:s28] =	ssyncadd.s32 @!p1 $0xFFFFC000;
	s28 =	simm.s32 $0x4000  }
0x44: {  	[tilespmem:s29], [sflag:$0x2] =	stream.indirect.gather @!p1 [spmem:s2], $0x80, s26, s30, $0xb8;
	[tilespmem:$0x18350] =	vst v63  }
0x45: {  	s26 =	simm.s32 $0x2000;
	s29 =	sadd.s32 $0x1800, s5;
	_ =	swait.ge [sflag:s19], $0x4000  }
.LBB2_2:
0x46: {  	[sflag:s19] =	ssyncset.done $0x0  }
0x47: {  	s30 =	simm.s32 @!p2 $0x7;
	[sflag:s19] =	ssyncadd.s32 $0xFFFFC000  }
0x48: {  	[hbm4b:s29+s3] =	stream.linear.scatter [tilespmem:s17], [sflag:$0x8], $0x4000, $0x38;
	[tilespmem:$0x18350] =	vst v63  }
0x49: {  	_ =	swait.ge @!p2 [sflag:s30], $0x4000  }
0x4a: {  	[sflag:s30] =	ssyncset.done @!p2 $0x0  }
0x4b: {  	s4 =	sadd.s32 $0xFFFFFE80, s25;
	s29 =	rddreg [dreg:$0x5];
	[sflag:s30] =	ssyncadd.s32 @!p2 $0xFFFFC000  }
0x4c: {  	[tilespmem:s29], [sflag:$0x3] =	stream.indirect.gather [spmem:s2], $0x80, s4, s13, $0xb8;
	[tilespmem:$0x18350] =	vst v63  }
0x4d: {  	_ =	swait.ge [sflag:s16], $0x4000  }
0x4e: {  	[sflag:s16] =	ssyncset.done $0x0  }
0x4f: {  	s5 =	sadd.s32 s26, s7;
	s1 =	simm.s32 @!p2 $0x8;
	[sflag:s16] =	ssyncadd.s32 $0xFFFFC000  }
0x50: {  	[hbm4b:s5+s3] =	stream.linear.scatter [tilespmem:s14], [sflag:$0x5], $0x4000, $0x38;
	[tilespmem:$0x18350] =	vst v63  }
0x51: {  	_ =	swait.ge @!p2 [sflag:s1], $0x4000  }
0x52: {  	[sflag:s1] =	ssyncset.done @!p2 $0x0  }
0x53: {  	s0 =	sadd.s32 $0xFFFFFF00, s25;
	[sflag:s1] =	ssyncadd.s32 @!p2 $0xFFFFC000  }
0x54: {  	[tilespmem:s17], [sflag:$0x4] =	stream.indirect.gather [spmem:s2], $0x80, s0, s13, $0xb8;
	[tilespmem:$0x18350] =	vst v63  }
0x55: {  	_ =	swait.ge [sflag:s18], $0x4000  }
0x56: {  	p2 =	seq.s32 s26, $0x62000;
	[sflag:s18] =	ssyncset.done $0x0  }
0x57: {  	s30 =	sadd.s32 $0x800, s5;
	s1 =	simm.s32 @p2 $0x3;
	[sflag:s18] =	ssyncadd.s32 $0xFFFFC000  }
0x58: {  	[hbm4b:s30+s3] =	stream.linear.scatter [tilespmem:s15], [sflag:$0x6], $0x4000, $0x38;
	[tilespmem:$0x18350] =	vst v63  }
0x59: {  	s29 =	sadd.s32 $0x1800, s5;
	_ =	swait.ge @p2 [sflag:s1], $0x4000  }
0x5a: {  	s0 =	simm.s32 @p2 $0xE400;
	s4 =	sadd.s32 @p2 $0x63000, s7;
	[sflag:s1] =	ssyncset.done @p2 $0x0  }
0x5b: {  	s5 =	simm.s32 @p2 $0x0;
	[sflag:s1] =	ssyncadd.s32 @p2 $0xFFFFC000;
	s1 =	simm.s32 @!p2 $0x5  }
0x5c: {  	[hbm4b:s4+s5] =	stream.linear.scatter @p2 [tilespmem:s0], [sflag:$0x7], $0x4000, $0x38;
	[tilespmem:$0x18350] =	vst v63  }
0x5d: {  	s31 =	smov.u32 s28;
	s28 =	sadd.s32 $0x2000, s28;
	_ =	swait.ge @!p2 [sflag:s1], $0x4000  }
0x5e: {  	s0 =	simm.s32 @!p2 $0x6400;
	s4 =	sadd.s32 @!p2 $0xFFFFFF80, s25;
	[sflag:s1] =	ssyncset.done @!p2 $0x0  }
0x5f: {  	s5 =	simm.s32 @!p2 $0x80;
	[sflag:s1] =	ssyncadd.s32 @!p2 $0xFFFFC000;
	s1 =	simm.s32 @!p2 $0x3  }
0x60: {  	[tilespmem:s0], [sflag:$0x1] =	stream.indirect.gather @!p2 [spmem:s2], $0x80, s4, s5, $0xb8;
	[tilespmem:$0x18350] =	vst v63  }
0x61: {  	p1 =	sne.s32 s28, $0x64000;
	s26 =	sadd.s32 @!p2 s26, s7;
	_ =	swait.ge @!p2 [sflag:s1], $0x4000  }
0x62: {  	s30 =	sadd.s32 @!p2 $0x1000, s26;
	s0 =	simm.s32 @!p2 $0x0;
	[sflag:s1] =	ssyncset.done @!p2 $0x0  }
0x63: {  	s4 =	simm.s32 @!p2 $0xE400;
	[sflag:s1] =	ssyncadd.s32 @!p2 $0xFFFFC000;
	s1 =	simm.s32 @!p2 $0x6  }
0x64: {  	[hbm4b:s30+s0] =	stream.linear.scatter @!p2 [tilespmem:s4], [sflag:$0x7], $0x4000, $0x38;
	[tilespmem:$0x18350] =	vst v63  }
.Ltmp0:
0x65: {  	_ =	swait.ge @!p2 [sflag:s1], $0x4000;
	(pc) =	sbr.rel @p1 .LBB2_2-.Ltmp0, $4  }
0x66: {  	[sflag:s1] =	ssyncset.done @!p2 $0x0  }
0x67: {  	s26 =	smov.u32 s31;
	s0 =	simm.s32 @!p2 $0xA400;
	[sflag:s1] =	ssyncadd.s32 @!p2 $0xFFFFC000  }
0x68: {  	[tilespmem:s0], [sflag:$0x2] =	stream.indirect.gather @!p2 [spmem:s2], $0x80, s25, s5, $0xb8;
	[tilespmem:$0x18350] =	vst v63  }
0x69: {  	p2 =	seq.s32 s26, $0x0;
	s25 =	sadd.s32 $0x200, s25;
	_ =	swait.ge [sflag:s19], $0x4000  }
0x6a: {  	[sflag:s19] =	ssyncset.done $0x0  }
0x6b: {  	s0 =	simm.s32 @!p2 $0x7;
	[sflag:s19] =	ssyncadd.s32 $0xFFFFC000  }
0x6c: {  	[hbm4b:s29+s3] =	stream.linear.scatter [tilespmem:s17], [sflag:$0x8], $0x4000, $0x38;
	[tilespmem:$0x18350] =	vst v63  }
0x6d: {  	_ =	swait.ge @!p2 [sflag:s0], $0x4000  }
0x6e: {  	[sflag:s0] =	ssyncset.done @!p2 $0x0  }
0x6f: {  	s29 =	sadd.s32 $0xFFFFFE80, s25;
	s1 =	rddreg [dreg:$0x5];
	[sflag:s0] =	ssyncadd.s32 @!p2 $0xFFFFC000  }
0x70: {  	[tilespmem:s1], [sflag:$0x3] =	stream.indirect.gather [spmem:s2], $0x80, s29, s13, $0xb8;
	[tilespmem:$0x18350] =	vst v63  }
0x71: {  	_ =	swait.ge [sflag:s16], $0x4000  }
0x72: {  	[sflag:s16] =	ssyncset.done $0x0  }
0x73: {  	s30 =	sadd.s32 s26, s7;
	s1 =	simm.s32 @!p2 $0x8;
	[sflag:s16] =	ssyncadd.s32 $0xFFFFC000  }
0x74: {  	[hbm4b:s30+s3] =	stream.linear.scatter [tilespmem:s14], [sflag:$0x5], $0x4000, $0x38;
	[tilespmem:$0x18350] =	vst v63  }
0x75: {  	_ =	swait.ge @!p2 [sflag:s1], $0x4000  }
0x76: {  	[sflag:s1] =	ssyncset.done @!p2 $0x0  }
0x77: {  	s4 =	sadd.s32 $0xFFFFFF00, s25;
	[sflag:s1] =	ssyncadd.s32 @!p2 $0xFFFFC000  }
0x78: {  	[tilespmem:s17], [sflag:$0x4] =	stream.indirect.gather [spmem:s2], $0x80, s4, s13, $0xb8;
	[tilespmem:$0x18350] =	vst v63  }
0x79: {  	_ =	swait.ge [sflag:s18], $0x4000  }
0x7a: {  	p1 =	seq.s32 s26, $0x62000;
	[sflag:s18] =	ssyncset.done $0x0  }
0x7b: {  	s31 =	sadd.s32 $0x800, s30;
	s4 =	simm.s32 @p1 $0x3;
	[sflag:s18] =	ssyncadd.s32 $0xFFFFC000  }
0x7c: {  	[hbm4b:s31+s3] =	stream.linear.scatter [tilespmem:s15], [sflag:$0x6], $0x4000, $0x38;
	[tilespmem:$0x18350] =	vst v63  }
0x7d: {  	_ =	swait.ge @p1 [sflag:s4], $0x4000  }
0x7e: {  	s5 =	sadd.s32 @p1 $0x63000, s7;
	s28 =	simm.s32 @p1 $0x0;
	[sflag:s4] =	ssyncset.done @p1 $0x0  }
0x7f: {  	s1 =	simm.s32 @p1 $0xE400;
	[sflag:s4] =	ssyncadd.s32 @p1 $0xFFFFC000;
	s4 =	simm.s32 @!p1 $0x5  }
0x80: {  	[hbm4b:s5+s28] =	stream.linear.scatter @p1 [tilespmem:s1], [sflag:$0x7], $0x4000, $0x38;
	[tilespmem:$0x18350] =	vst v63  }
0x81: {  	_ =	swait.ge @!p1 [sflag:s4], $0x4000  }
0x82: {  	s1 =	simm.s32 @!p1 $0x6400;
	s5 =	sadd.s32 @!p1 $0xFFFFFF80, s25;
	[sflag:s4] =	ssyncset.done @!p1 $0x0  }
0x83: {  	s28 =	simm.s32 @!p1 $0x80;
	[sflag:s4] =	ssyncadd.s32 @!p1 $0xFFFFC000;
	s4 =	simm.s32 @!p1 $0x3  }
0x84: {  	[tilespmem:s1], [sflag:$0x1] =	stream.indirect.gather @!p1 [spmem:s2], $0x80, s5, s28, $0xb8;
	[tilespmem:$0x18350] =	vst v63  }
0x85: {  	s1 =	sadd.s32 @!p1 s26, s7;
	_ =	swait.ge @!p1 [sflag:s4], $0x4000  }
0x86: {  	s5 =	simm.s32 @!p1 $0x0;
	s26 =	simm.s32 @!p1 $0xE400;
	[sflag:s4] =	ssyncset.done @!p1 $0x0  }
0x87: {  	s1 =	sadd.s32 @!p1 $0x1000, s1;
	[sflag:s4] =	ssyncadd.s32 @!p1 $0xFFFFC000;
	s4 =	simm.s32 @!p1 $0x6  }
0x88: {  	[hbm4b:s1+s5] =	stream.linear.scatter @!p1 [tilespmem:s26], [sflag:$0x7], $0x4000, $0x38;
	[tilespmem:$0x18350] =	vst v63  }
0x89: {  	_ =	swait.ge @!p1 [sflag:s4], $0x4000  }
0x8a: {  	[sflag:s4] =	ssyncset.done @!p1 $0x0  }
0x8b: {  	s1 =	simm.s32 @!p1 $0xA400;
	[sflag:s4] =	ssyncadd.s32 @!p1 $0xFFFFC000  }
0x8c: {  	[tilespmem:s1], [sflag:$0x2] =	stream.indirect.gather @!p1 [spmem:s2], $0x80, s25, s28, $0xb8;
	[tilespmem:$0x18350] =	vst v63  }
0x8d: {  	_ =	swait.ge [sflag:s19], $0x4000  }
0x8e: {  	[sflag:s19] =	ssyncset.done $0x0  }
0x8f: {  	s0 =	sadd.s32 $0x1800, s30;
	[sflag:s19] =	ssyncadd.s32 $0xFFFFC000  }
0x90: {  	[hbm4b:s0+s3] =	stream.linear.scatter [tilespmem:s17], [sflag:$0x8], $0x4000, $0x38;
	[tilespmem:$0x18350] =	vst v63  }
0x91: {  	_ =	swait.ge [sflag:s20], $0x4000  }
0x92: {  	[sflag:s20] =	ssyncset.done $0x0  }
0x93: {  	[sflag:s20] =	ssyncadd.s32 $0xFFFFC000  }
0x94: {  	_ =	swait.ge [sflag:s21], $0x4000  }
0x95: {  	[sflag:s21] =	ssyncset.done $0x0  }
0x96: {  	s24 =	sadd.s32 $0x1, s24;
	[sflag:s21] =	ssyncadd.s32 $0xFFFFC000  }
0x97: {  	p1 =	sne.s32 s24, s8;
	_ =	swait.ge [sflag:s22], $0x4000  }
.Ltmp1:
0x98: {  	[sflag:s22] =	ssyncset.done $0x0;
	(pc) =	sbr.rel @p1 .LBB2_1-.Ltmp1, $4  }
0x99: {  	[sflag:s22] =	ssyncadd.s32 $0xFFFFC000  }
0x9a: {  	_ =	swait.ge [sflag:s23], $0x4000  }
0x9b: {  	[sflag:s23] =	ssyncset.done $0x0  }
0x9c: {  	[sflag:s23] =	ssyncadd.s32 $0xFFFFC000  }
0x9d: {  	_ =	sfence.sel $0x180000  }
0x9e: {  	[bflag:$0x0] =	sbarrier.arrive $0xFFFF  }
0x9f: {  	_ =	strace $0x90000047  }
0xa0: {  	s0 =	stileid.u32;
	[bflag:$0x2] =	sbarrier.arrive $0xFFFF  }
0xa1: {  	p0 =	sne.s32 s0, $0x0;
	s0 =	rddreg [dreg:$0x4]  }
0xa2: {  	s0 =	sadd.s32 @!p0 $0x100000, s0  }
0xa3: {  	[sflag:s0] =	ssyncadd.tile.s32 @!p0 $0x1;
	_ =	shalt  }
.Lfunc_end2:
_tile_overlayer_lowered:
.L_overlay_start_2:
0xa4: {  	(tag) =	ssettag $0x2  }
0xa5: {  	s0 =	rddreg [dreg:$0x0];
	s2 =	stileid.u32  }
0xa6: {  	s1 =	rddreg [dreg:$0x1];
	p0 =	sne.s32 s2, $0x0  }
0xa7: {  	s3 =	rddreg [dreg:$0x2];
	[bflag:$0x3] =	sbarrier.arrive $0xFFFF;
	s2 =	simm.s32 @!p0 $0x1C09  }
0xa8: {  	[timem:s3], [sflag:s2] =	dma.local @!p0 [hbm:s0], s1  }
0xa9: {  	s0 =	simm.s32 @!p0 $0x9  }
0xaa: {  	_ =	swait.ge @!p0 [sflag:s0], s1  }
0xab: {  	s1 =	ssub.s32 @!p0 $0x0, s1;
	[sflag:s0] =	ssyncset.done @!p0 $0x0  }
0xac: {  	[sflag:s0] =	ssyncadd.s32 @!p0 s1  }
0xad: {  	[bflag:$0x3] =	sbarrier.arrive $0xFFFF  }
0xae: {  	_ =	shalt  }

</sc_bundles>
